<compile_context>
chip_gen: v7x
topology: tpu7x:2x2x1
jax: 0.10.2.dev20260603
libtpu: 0.0.44.dev20260713+nightly
codegen_flags: <defaults>
</compile_context>

<pallas_src>
import functools

import jax
import jax.numpy as jnp
from jax import lax
from jax.experimental import pallas as pl
from jax.experimental.pallas import tpu as pltpu
from jax.experimental.pallas import tpu_sc as plsc

B = 16384
F = 26
V = 1000000

NC = 2
NS = 16
NW = NC * NS
BPW = B // NW
LANES = 16
NCHUNK = BPW // LANES
NG = (F + 7) // 8


def _build_sc_call():
    mesh = plsc.VectorSubcoreMesh(core_axis_name="c", subcore_axis_name="s")

    @functools.partial(
        pl.kernel,
        mesh=mesh,
        compiler_params=pltpu.CompilerParams(
            needs_layout_passes=False,
            use_tc_tiling_on_sc=False,
            skip_device_barrier=True,
        ),
        out_type=jax.ShapeDtypeStruct((B,), jnp.float32),
        scratch_types=[
            pltpu.VMEM((F, BPW), jnp.int32),
            pltpu.VMEM((F, BPW), jnp.float32),
            pltpu.VMEM((BPW,), jnp.float32),
            pltpu.SemaphoreType.DMA,
        ],
    )
    def sc_body(*refs):
        w_refs = refs[:F]
        x_hbm, out_hbm, x_v, buf, acc_v, sem = refs[F:]
        wid = lax.axis_index("s") * NC + lax.axis_index("c")

        pltpu.sync_copy(x_hbm.at[wid], x_v)

        for f in range(F):
            pltpu.async_copy(w_refs[f].at[x_v.at[f]], buf.at[f], sem)

        for f in range(F):
            pltpu.make_async_copy(
                w_refs[f].at[x_v.at[f]], buf.at[f], sem
            ).wait()

        def rbody(c, carry):
            acc = buf[0, pl.ds(c * LANES, LANES)]
            for f in range(1, F):
                acc = acc + buf[f, pl.ds(c * LANES, LANES)]
            acc_v[pl.ds(c * LANES, LANES)] = 1.0 / (1.0 + jnp.exp(-acc))
            return carry

        lax.fori_loop(0, NCHUNK, rbody, 0)

        pltpu.sync_copy(acc_v, out_hbm.at[pl.ds(wid * BPW, BPW)])

    return sc_body


_sc_call = _build_sc_call()


@jax.jit
def kernel(X, W_linear):
    x3 = X.T.reshape(F, NW, BPW).transpose(1, 0, 2)
    w_rows = [W_linear[f] for f in range(F)]
    out = _sc_call(*w_rows, x3)
    return out.reshape(B, 1)

# --- scband reference (transcript-rebuilt; emitter-appended) ---
"""Pipeline reference for scband-base-model-43473658970273 (READ-ONLY COPY).

The authoritative reference and input builder live on the scoring server;
editing this copy changes nothing except your own understanding.
"""

import jax, jax.numpy as jnp
import numpy as np

B = 16384   # batch
F = 26      # n_sparse_fields (Criteo-style)
V = 1000000 # vocabulary size per field


def setup_inputs(seed: int = 0) -> dict:
    key = jax.random.key(seed)
    k_idx, k_w = jax.random.split(key)
    # X holds per-field categorical ids; the torch model slices X per feature and casts .long()
    X = jax.random.randint(k_idx, (B, F), 0, V, dtype=jnp.int32)
    # Linear part of BaseModel: one embedding table per sparse field with embedding_dim=1
    # (create_embedding_matrix(..., linear=True)), init normal(0, init_std=1e-4).
    # Stack the F tables into a single [F, V] array (dim-1 axis squeezed).
    W_linear = jax.random.normal(k_w, (F, V), dtype=jnp.float32) * 1e-4
    return {"X": X, "W_linear": W_linear}


def reference(X, W_linear):
    # sparse_embedding_list: for each field f, embedding lookup -> [B, 1, 1]
    # concat over last dim -> [B, 1, F]; sum over last dim -> [B, 1]
    # Equivalent stacked gather: W_linear[f, X[:, f]] summed over f.
    idx = X.T                                        # [F, B]
    gathered = jnp.take_along_axis(W_linear, idx, axis=1)  # [F, B]
    linear_logit = jnp.sum(gathered, axis=0)[:, None]      # [B, 1]
    # PredictionLayer(task='binary') applies sigmoid
    return jax.nn.sigmoid(linear_logit)

if __name__ == "__main__":
    import jax
    _d = setup_inputs()
    print(jax.jit(kernel)(*tuple(_d.values())))

</pallas_src>

<mosaic_0001>
#map = affine_map<(d0, d1) -> (0)>
#map1 = affine_map<(d0, d1) -> (0, 0, 0)>
module attributes {stable_mosaic.version = 14 : i64} {
  func.func @sc_body(%arg0: i32, %arg1: i32, %arg2: memref<1000000xf32, #tpu.memory_space<hbm>>, %arg3: memref<1000000xf32, #tpu.memory_space<hbm>>, %arg4: memref<1000000xf32, #tpu.memory_space<hbm>>, %arg5: memref<1000000xf32, #tpu.memory_space<hbm>>, %arg6: memref<1000000xf32, #tpu.memory_space<hbm>>, %arg7: memref<1000000xf32, #tpu.memory_space<hbm>>, %arg8: memref<1000000xf32, #tpu.memory_space<hbm>>, %arg9: memref<1000000xf32, #tpu.memory_space<hbm>>, %arg10: memref<1000000xf32, #tpu.memory_space<hbm>>, %arg11: memref<1000000xf32, #tpu.memory_space<hbm>>, %arg12: memref<1000000xf32, #tpu.memory_space<hbm>>, %arg13: memref<1000000xf32, #tpu.memory_space<hbm>>, %arg14: memref<1000000xf32, #tpu.memory_space<hbm>>, %arg15: memref<1000000xf32, #tpu.memory_space<hbm>>, %arg16: memref<1000000xf32, #tpu.memory_space<hbm>>, %arg17: memref<1000000xf32, #tpu.memory_space<hbm>>, %arg18: memref<1000000xf32, #tpu.memory_space<hbm>>, %arg19: memref<1000000xf32, #tpu.memory_space<hbm>>, %arg20: memref<1000000xf32, #tpu.memory_space<hbm>>, %arg21: memref<1000000xf32, #tpu.memory_space<hbm>>, %arg22: memref<1000000xf32, #tpu.memory_space<hbm>>, %arg23: memref<1000000xf32, #tpu.memory_space<hbm>>, %arg24: memref<1000000xf32, #tpu.memory_space<hbm>>, %arg25: memref<1000000xf32, #tpu.memory_space<hbm>>, %arg26: memref<1000000xf32, #tpu.memory_space<hbm>>, %arg27: memref<1000000xf32, #tpu.memory_space<hbm>>, %arg28: memref<32x26x512xi32, #tpu.memory_space<hbm>>, %arg29: memref<16384xf32, #tpu.memory_space<hbm>>, %arg30: memref<26x512xi32, #tpu.memory_space<vmem>>, %arg31: memref<26x512xf32, #tpu.memory_space<vmem>>, %arg32: memref<512xf32, #tpu.memory_space<vmem>>, %arg33: memref<!tpu.dma_semaphore, #tpu.memory_space<semaphore_mem>>) attributes {dimension_semantics = [#tpu.dimension_semantics<core_parallel>, #tpu.dimension_semantics<subcore_parallel>], iteration_bounds = array<i64: 2, 16>, scalar_prefetch = 0 : i64, scratch_operands = 4 : i64, tpu.core_type = #tpu.core_type<sc_vector_subcore>, window_params = [{transform_indices = #map}, {transform_indices = #map}, {transform_indices = #map}, {transform_indices = #map}, {transform_indices = #map}, {transform_indices = #map}, {transform_indices = #map}, {transform_indices = #map}, {transform_indices = #map}, {transform_indices = #map}, {transform_indices = #map}, {transform_indices = #map}, {transform_indices = #map}, {transform_indices = #map}, {transform_indices = #map}, {transform_indices = #map}, {transform_indices = #map}, {transform_indices = #map}, {transform_indices = #map}, {transform_indices = #map}, {transform_indices = #map}, {transform_indices = #map}, {transform_indices = #map}, {transform_indices = #map}, {transform_indices = #map}, {transform_indices = #map}, {transform_indices = #map1}, {transform_indices = #map}]} {
    %mul3A = arith.constant 2 : i32
    %mul3A_0 = arith.muli %arg1, %mul3A : i32
    %add3A = arith.addi %mul3A_0, %arg0 : i32
    "tpu.region"() ({
      %run_scoped3A = tpu.sem_alloc : memref<!tpu.dma_semaphore, #tpu.memory_space<semaphore_mem>>
      %dma_start3A_526 = arith.constant 0 : i32
      %dma_start3A_527 = arith.constant 0 : i32
      %dma_start3A_528 = tpu.memref_slice %arg28[%add3A, %dma_start3A_526, %dma_start3A_527] : memref<32x26x512xi32, #tpu.memory_space<hbm>> -> memref<1x26x512xi32, #tpu.memory_space<hbm>>
      %dma_start3A_529 = tpu.memref_squeeze %dma_start3A_528 : memref<1x26x512xi32, #tpu.memory_space<hbm>> -> memref<26x512xi32, #tpu.memory_space<hbm>>
      %dma_start3A_530 = arith.constant 0 : i32
      %dma_start3A_531 = arith.constant 0 : i32
      %dma_start3A_532 = tpu.memref_slice %arg28[%add3A, %dma_start3A_530, %dma_start3A_531] : memref<32x26x512xi32, #tpu.memory_space<hbm>> -> memref<1x26x512xi32, #tpu.memory_space<hbm>>
      %dma_start3A_533 = tpu.memref_squeeze %dma_start3A_532 : memref<1x26x512xi32, #tpu.memory_space<hbm>> -> memref<26x512xi32, #tpu.memory_space<hbm>>
      tpu.enqueue_dma source(%dma_start3A_533 : memref<26x512xi32, #tpu.memory_space<hbm>>) target(%arg30 : memref<26x512xi32, #tpu.memory_space<vmem>>) target_semaphore(%run_scoped3A : memref<!tpu.dma_semaphore, #tpu.memory_space<semaphore_mem>>)
      %dma_wait3A_534 = arith.constant 0 : i32
      %dma_wait3A_535 = arith.constant 0 : i32
      %dma_wait3A_536 = tpu.memref_slice %arg28[%add3A, %dma_wait3A_534, %dma_wait3A_535] : memref<32x26x512xi32, #tpu.memory_space<hbm>> -> memref<1x26x512xi32, #tpu.memory_space<hbm>>
      %dma_wait3A_537 = tpu.memref_squeeze %dma_wait3A_536 : memref<1x26x512xi32, #tpu.memory_space<hbm>> -> memref<26x512xi32, #tpu.memory_space<hbm>>
      %dma_wait3A_538 = arith.constant 0 : i32
      %dma_wait3A_539 = arith.constant 0 : i32
      %dma_wait3A_540 = tpu.memref_slice %arg28[%add3A, %dma_wait3A_538, %dma_wait3A_539] : memref<32x26x512xi32, #tpu.memory_space<hbm>> -> memref<1x26x512xi32, #tpu.memory_space<hbm>>
      %dma_wait3A_541 = tpu.memref_squeeze %dma_wait3A_540 : memref<1x26x512xi32, #tpu.memory_space<hbm>> -> memref<26x512xi32, #tpu.memory_space<hbm>>
      tpu.wait_dma2 semaphore(%run_scoped3A : memref<!tpu.dma_semaphore, #tpu.memory_space<semaphore_mem>>) src(%dma_wait3A_541 : memref<26x512xi32, #tpu.memory_space<hbm>>) dst(%arg30 : memref<26x512xi32, #tpu.memory_space<vmem>>)
      tpu.yield
    }) : () -> ()
    %dma_start3A = arith.constant 0 : i32
    %dma_start3A_1 = arith.constant 0 : i32
    %dma_start3A_2 = arith.constant 0 : i32
    %dma_start3A_3 = tpu.memref_slice %arg31[%dma_start3A_1, %dma_start3A_2] : memref<26x512xf32, #tpu.memory_space<vmem>> -> memref<1x512xf32, #tpu.memory_space<vmem>>
    %dma_start3A_4 = tpu.memref_squeeze %dma_start3A_3 : memref<1x512xf32, #tpu.memory_space<vmem>> -> memref<512xf32, #tpu.memory_space<vmem>>
    %dma_start3A_5 = arith.constant 0 : i32
    %dma_start3A_6 = tpu.memref_slice %arg30[%dma_start3A, %dma_start3A_5] : memref<26x512xi32, #tpu.memory_space<vmem>> -> memref<1x512xi32, #tpu.memory_space<vmem>>
    %dma_start3A_7 = tpu.memref_squeeze %dma_start3A_6 : memref<1x512xi32, #tpu.memory_space<vmem>> -> memref<512xi32, #tpu.memory_space<vmem>>
    %dma_start3A_8 = arith.constant 0 : i32
    %dma_start3A_9 = tpu.memref_slice %arg2[%dma_start3A_8] : memref<1000000xf32, #tpu.memory_space<hbm>> -> memref<1000000xf32, #tpu.memory_space<hbm>>
    tpu.enqueue_indirect_dma source(%dma_start3A_9 : memref<1000000xf32, #tpu.memory_space<hbm>>) target(%dma_start3A_4 : memref<512xf32, #tpu.memory_space<vmem>>) offsets(%dma_start3A_7 : memref<512xi32, #tpu.memory_space<vmem>>) semaphore(%arg33 : memref<!tpu.dma_semaphore, #tpu.memory_space<semaphore_mem>>)
    %dma_start3A_10 = arith.constant 1 : i32
    %dma_start3A_11 = arith.constant 1 : i32
    %dma_start3A_12 = arith.constant 0 : i32
    %dma_start3A_13 = tpu.memref_slice %arg31[%dma_start3A_11, %dma_start3A_12] : memref<26x512xf32, #tpu.memory_space<vmem>> -> memref<1x512xf32, #tpu.memory_space<vmem>>
    %dma_start3A_14 = tpu.memref_squeeze %dma_start3A_13 : memref<1x512xf32, #tpu.memory_space<vmem>> -> memref<512xf32, #tpu.memory_space<vmem>>
    %dma_start3A_15 = arith.constant 0 : i32
    %dma_start3A_16 = tpu.memref_slice %arg30[%dma_start3A_10, %dma_start3A_15] : memref<26x512xi32, #tpu.memory_space<vmem>> -> memref<1x512xi32, #tpu.memory_space<vmem>>
    %dma_start3A_17 = tpu.memref_squeeze %dma_start3A_16 : memref<1x512xi32, #tpu.memory_space<vmem>> -> memref<512xi32, #tpu.memory_space<vmem>>
    %dma_start3A_18 = arith.constant 0 : i32
    %dma_start3A_19 = tpu.memref_slice %arg3[%dma_start3A_18] : memref<1000000xf32, #tpu.memory_space<hbm>> -> memref<1000000xf32, #tpu.memory_space<hbm>>
    tpu.enqueue_indirect_dma source(%dma_start3A_19 : memref<1000000xf32, #tpu.memory_space<hbm>>) target(%dma_start3A_14 : memref<512xf32, #tpu.memory_space<vmem>>) offsets(%dma_start3A_17 : memref<512xi32, #tpu.memory_space<vmem>>) semaphore(%arg33 : memref<!tpu.dma_semaphore, #tpu.memory_space<semaphore_mem>>)
    %dma_start3A_20 = arith.constant 2 : i32
    %dma_start3A_21 = arith.constant 2 : i32
    %dma_start3A_22 = arith.constant 0 : i32
    %dma_start3A_23 = tpu.memref_slice %arg31[%dma_start3A_21, %dma_start3A_22] : memref<26x512xf32, #tpu.memory_space<vmem>> -> memref<1x512xf32, #tpu.memory_space<vmem>>
    %dma_start3A_24 = tpu.memref_squeeze %dma_start3A_23 : memref<1x512xf32, #tpu.memory_space<vmem>> -> memref<512xf32, #tpu.memory_space<vmem>>
    %dma_start3A_25 = arith.constant 0 : i32
    %dma_start3A_26 = tpu.memref_slice %arg30[%dma_start3A_20, %dma_start3A_25] : memref<26x512xi32, #tpu.memory_space<vmem>> -> memref<1x512xi32, #tpu.memory_space<vmem>>
    %dma_start3A_27 = tpu.memref_squeeze %dma_start3A_26 : memref<1x512xi32, #tpu.memory_space<vmem>> -> memref<512xi32, #tpu.memory_space<vmem>>
    %dma_start3A_28 = arith.constant 0 : i32
    %dma_start3A_29 = tpu.memref_slice %arg4[%dma_start3A_28] : memref<1000000xf32, #tpu.memory_space<hbm>> -> memref<1000000xf32, #tpu.memory_space<hbm>>
    tpu.enqueue_indirect_dma source(%dma_start3A_29 : memref<1000000xf32, #tpu.memory_space<hbm>>) target(%dma_start3A_24 : memref<512xf32, #tpu.memory_space<vmem>>) offsets(%dma_start3A_27 : memref<512xi32, #tpu.memory_space<vmem>>) semaphore(%arg33 : memref<!tpu.dma_semaphore, #tpu.memory_space<semaphore_mem>>)
    %dma_start3A_30 = arith.constant 3 : i32
    %dma_start3A_31 = arith.constant 3 : i32
    %dma_start3A_32 = arith.constant 0 : i32
    %dma_start3A_33 = tpu.memref_slice %arg31[%dma_start3A_31, %dma_start3A_32] : memref<26x512xf32, #tpu.memory_space<vmem>> -> memref<1x512xf32, #tpu.memory_space<vmem>>
    %dma_start3A_34 = tpu.memref_squeeze %dma_start3A_33 : memref<1x512xf32, #tpu.memory_space<vmem>> -> memref<512xf32, #tpu.memory_space<vmem>>
    %dma_start3A_35 = arith.constant 0 : i32
    %dma_start3A_36 = tpu.memref_slice %arg30[%dma_start3A_30, %dma_start3A_35] : memref<26x512xi32, #tpu.memory_space<vmem>> -> memref<1x512xi32, #tpu.memory_space<vmem>>
    %dma_start3A_37 = tpu.memref_squeeze %dma_start3A_36 : memref<1x512xi32, #tpu.memory_space<vmem>> -> memref<512xi32, #tpu.memory_space<vmem>>
    %dma_start3A_38 = arith.constant 0 : i32
    %dma_start3A_39 = tpu.memref_slice %arg5[%dma_start3A_38] : memref<1000000xf32, #tpu.memory_space<hbm>> -> memref<1000000xf32, #tpu.memory_space<hbm>>
    tpu.enqueue_indirect_dma source(%dma_start3A_39 : memref<1000000xf32, #tpu.memory_space<hbm>>) target(%dma_start3A_34 : memref<512xf32, #tpu.memory_space<vmem>>) offsets(%dma_start3A_37 : memref<512xi32, #tpu.memory_space<vmem>>) semaphore(%arg33 : memref<!tpu.dma_semaphore, #tpu.memory_space<semaphore_mem>>)
    %dma_start3A_40 = arith.constant 4 : i32
    %dma_start3A_41 = arith.constant 4 : i32
    %dma_start3A_42 = arith.constant 0 : i32
    %dma_start3A_43 = tpu.memref_slice %arg31[%dma_start3A_41, %dma_start3A_42] : memref<26x512xf32, #tpu.memory_space<vmem>> -> memref<1x512xf32, #tpu.memory_space<vmem>>
    %dma_start3A_44 = tpu.memref_squeeze %dma_start3A_43 : memref<1x512xf32, #tpu.memory_space<vmem>> -> memref<512xf32, #tpu.memory_space<vmem>>
    %dma_start3A_45 = arith.constant 0 : i32
    %dma_start3A_46 = tpu.memref_slice %arg30[%dma_start3A_40, %dma_start3A_45] : memref<26x512xi32, #tpu.memory_space<vmem>> -> memref<1x512xi32, #tpu.memory_space<vmem>>
    %dma_start3A_47 = tpu.memref_squeeze %dma_start3A_46 : memref<1x512xi32, #tpu.memory_space<vmem>> -> memref<512xi32, #tpu.memory_space<vmem>>
    %dma_start3A_48 = arith.constant 0 : i32
    %dma_start3A_49 = tpu.memref_slice %arg6[%dma_start3A_48] : memref<1000000xf32, #tpu.memory_space<hbm>> -> memref<1000000xf32, #tpu.memory_space<hbm>>
    tpu.enqueue_indirect_dma source(%dma_start3A_49 : memref<1000000xf32, #tpu.memory_space<hbm>>) target(%dma_start3A_44 : memref<512xf32, #tpu.memory_space<vmem>>) offsets(%dma_start3A_47 : memref<512xi32, #tpu.memory_space<vmem>>) semaphore(%arg33 : memref<!tpu.dma_semaphore, #tpu.memory_space<semaphore_mem>>)
    %dma_start3A_50 = arith.constant 5 : i32
    %dma_start3A_51 = arith.constant 5 : i32
    %dma_start3A_52 = arith.constant 0 : i32
    %dma_start3A_53 = tpu.memref_slice %arg31[%dma_start3A_51, %dma_start3A_52] : memref<26x512xf32, #tpu.memory_space<vmem>> -> memref<1x512xf32, #tpu.memory_space<vmem>>
    %dma_start3A_54 = tpu.memref_squeeze %dma_start3A_53 : memref<1x512xf32, #tpu.memory_space<vmem>> -> memref<512xf32, #tpu.memory_space<vmem>>
    %dma_start3A_55 = arith.constant 0 : i32
    %dma_start3A_56 = tpu.memref_slice %arg30[%dma_start3A_50, %dma_start3A_55] : memref<26x512xi32, #tpu.memory_space<vmem>> -> memref<1x512xi32, #tpu.memory_space<vmem>>
    %dma_start3A_57 = tpu.memref_squeeze %dma_start3A_56 : memref<1x512xi32, #tpu.memory_space<vmem>> -> memref<512xi32, #tpu.memory_space<vmem>>
    %dma_start3A_58 = arith.constant 0 : i32
    %dma_start3A_59 = tpu.memref_slice %arg7[%dma_start3A_58] : memref<1000000xf32, #tpu.memory_space<hbm>> -> memref<1000000xf32, #tpu.memory_space<hbm>>
    tpu.enqueue_indirect_dma source(%dma_start3A_59 : memref<1000000xf32, #tpu.memory_space<hbm>>) target(%dma_start3A_54 : memref<512xf32, #tpu.memory_space<vmem>>) offsets(%dma_start3A_57 : memref<512xi32, #tpu.memory_space<vmem>>) semaphore(%arg33 : memref<!tpu.dma_semaphore, #tpu.memory_space<semaphore_mem>>)
    %dma_start3A_60 = arith.constant 6 : i32
    %dma_start3A_61 = arith.constant 6 : i32
    %dma_start3A_62 = arith.constant 0 : i32
    %dma_start3A_63 = tpu.memref_slice %arg31[%dma_start3A_61, %dma_start3A_62] : memref<26x512xf32, #tpu.memory_space<vmem>> -> memref<1x512xf32, #tpu.memory_space<vmem>>
    %dma_start3A_64 = tpu.memref_squeeze %dma_start3A_63 : memref<1x512xf32, #tpu.memory_space<vmem>> -> memref<512xf32, #tpu.memory_space<vmem>>
    %dma_start3A_65 = arith.constant 0 : i32
    %dma_start3A_66 = tpu.memref_slice %arg30[%dma_start3A_60, %dma_start3A_65] : memref<26x512xi32, #tpu.memory_space<vmem>> -> memref<1x512xi32, #tpu.memory_space<vmem>>
    %dma_start3A_67 = tpu.memref_squeeze %dma_start3A_66 : memref<1x512xi32, #tpu.memory_space<vmem>> -> memref<512xi32, #tpu.memory_space<vmem>>
    %dma_start3A_68 = arith.constant 0 : i32
    %dma_start3A_69 = tpu.memref_slice %arg8[%dma_start3A_68] : memref<1000000xf32, #tpu.memory_space<hbm>> -> memref<1000000xf32, #tpu.memory_space<hbm>>
    tpu.enqueue_indirect_dma source(%dma_start3A_69 : memref<1000000xf32, #tpu.memory_space<hbm>>) target(%dma_start3A_64 : memref<512xf32, #tpu.memory_space<vmem>>) offsets(%dma_start3A_67 : memref<512xi32, #tpu.memory_space<vmem>>) semaphore(%arg33 : memref<!tpu.dma_semaphore, #tpu.memory_space<semaphore_mem>>)
    %dma_start3A_70 = arith.constant 7 : i32
    %dma_start3A_71 = arith.constant 7 : i32
    %dma_start3A_72 = arith.constant 0 : i32
    %dma_start3A_73 = tpu.memref_slice %arg31[%dma_start3A_71, %dma_start3A_72] : memref<26x512xf32, #tpu.memory_space<vmem>> -> memref<1x512xf32, #tpu.memory_space<vmem>>
    %dma_start3A_74 = tpu.memref_squeeze %dma_start3A_73 : memref<1x512xf32, #tpu.memory_space<vmem>> -> memref<512xf32, #tpu.memory_space<vmem>>
    %dma_start3A_75 = arith.constant 0 : i32
    %dma_start3A_76 = tpu.memref_slice %arg30[%dma_start3A_70, %dma_start3A_75] : memref<26x512xi32, #tpu.memory_space<vmem>> -> memref<1x512xi32, #tpu.memory_space<vmem>>
    %dma_start3A_77 = tpu.memref_squeeze %dma_start3A_76 : memref<1x512xi32, #tpu.memory_space<vmem>> -> memref<512xi32, #tpu.memory_space<vmem>>
    %dma_start3A_78 = arith.constant 0 : i32
    %dma_start3A_79 = tpu.memref_slice %arg9[%dma_start3A_78] : memref<1000000xf32, #tpu.memory_space<hbm>> -> memref<1000000xf32, #tpu.memory_space<hbm>>
    tpu.enqueue_indirect_dma source(%dma_start3A_79 : memref<1000000xf32, #tpu.memory_space<hbm>>) target(%dma_start3A_74 : memref<512xf32, #tpu.memory_space<vmem>>) offsets(%dma_start3A_77 : memref<512xi32, #tpu.memory_space<vmem>>) semaphore(%arg33 : memref<!tpu.dma_semaphore, #tpu.memory_space<semaphore_mem>>)
    %dma_start3A_80 = arith.constant 8 : i32
    %dma_start3A_81 = arith.constant 8 : i32
    %dma_start3A_82 = arith.constant 0 : i32
    %dma_start3A_83 = tpu.memref_slice %arg31[%dma_start3A_81, %dma_start3A_82] : memref<26x512xf32, #tpu.memory_space<vmem>> -> memref<1x512xf32, #tpu.memory_space<vmem>>
    %dma_start3A_84 = tpu.memref_squeeze %dma_start3A_83 : memref<1x512xf32, #tpu.memory_space<vmem>> -> memref<512xf32, #tpu.memory_space<vmem>>
    %dma_start3A_85 = arith.constant 0 : i32
    %dma_start3A_86 = tpu.memref_slice %arg30[%dma_start3A_80, %dma_start3A_85] : memref<26x512xi32, #tpu.memory_space<vmem>> -> memref<1x512xi32, #tpu.memory_space<vmem>>
    %dma_start3A_87 = tpu.memref_squeeze %dma_start3A_86 : memref<1x512xi32, #tpu.memory_space<vmem>> -> memref<512xi32, #tpu.memory_space<vmem>>
    %dma_start3A_88 = arith.constant 0 : i32
    %dma_start3A_89 = tpu.memref_slice %arg10[%dma_start3A_88] : memref<1000000xf32, #tpu.memory_space<hbm>> -> memref<1000000xf32, #tpu.memory_space<hbm>>
    tpu.enqueue_indirect_dma source(%dma_start3A_89 : memref<1000000xf32, #tpu.memory_space<hbm>>) target(%dma_start3A_84 : memref<512xf32, #tpu.memory_space<vmem>>) offsets(%dma_start3A_87 : memref<512xi32, #tpu.memory_space<vmem>>) semaphore(%arg33 : memref<!tpu.dma_semaphore, #tpu.memory_space<semaphore_mem>>)
    %dma_start3A_90 = arith.constant 9 : i32
    %dma_start3A_91 = arith.constant 9 : i32
    %dma_start3A_92 = arith.constant 0 : i32
    %dma_start3A_93 = tpu.memref_slice %arg31[%dma_start3A_91, %dma_start3A_92] : memref<26x512xf32, #tpu.memory_space<vmem>> -> memref<1x512xf32, #tpu.memory_space<vmem>>
    %dma_start3A_94 = tpu.memref_squeeze %dma_start3A_93 : memref<1x512xf32, #tpu.memory_space<vmem>> -> memref<512xf32, #tpu.memory_space<vmem>>
    %dma_start3A_95 = arith.constant 0 : i32
    %dma_start3A_96 = tpu.memref_slice %arg30[%dma_start3A_90, %dma_start3A_95] : memref<26x512xi32, #tpu.memory_space<vmem>> -> memref<1x512xi32, #tpu.memory_space<vmem>>
    %dma_start3A_97 = tpu.memref_squeeze %dma_start3A_96 : memref<1x512xi32, #tpu.memory_space<vmem>> -> memref<512xi32, #tpu.memory_space<vmem>>
    %dma_start3A_98 = arith.constant 0 : i32
    %dma_start3A_99 = tpu.memref_slice %arg11[%dma_start3A_98] : memref<1000000xf32, #tpu.memory_space<hbm>> -> memref<1000000xf32, #tpu.memory_space<hbm>>
    tpu.enqueue_indirect_dma source(%dma_start3A_99 : memref<1000000xf32, #tpu.memory_space<hbm>>) target(%dma_start3A_94 : memref<512xf32, #tpu.memory_space<vmem>>) offsets(%dma_start3A_97 : memref<512xi32, #tpu.memory_space<vmem>>) semaphore(%arg33 : memref<!tpu.dma_semaphore, #tpu.memory_space<semaphore_mem>>)
    %dma_start3A_100 = arith.constant 10 : i32
    %dma_start3A_101 = arith.constant 10 : i32
    %dma_start3A_102 = arith.constant 0 : i32
    %dma_start3A_103 = tpu.memref_slice %arg31[%dma_start3A_101, %dma_start3A_102] : memref<26x512xf32, #tpu.memory_space<vmem>> -> memref<1x512xf32, #tpu.memory_space<vmem>>
    %dma_start3A_104 = tpu.memref_squeeze %dma_start3A_103 : memref<1x512xf32, #tpu.memory_space<vmem>> -> memref<512xf32, #tpu.memory_space<vmem>>
    %dma_start3A_105 = arith.constant 0 : i32
    %dma_start3A_106 = tpu.memref_slice %arg30[%dma_start3A_100, %dma_start3A_105] : memref<26x512xi32, #tpu.memory_space<vmem>> -> memref<1x512xi32, #tpu.memory_space<vmem>>
    %dma_start3A_107 = tpu.memref_squeeze %dma_start3A_106 : memref<1x512xi32, #tpu.memory_space<vmem>> -> memref<512xi32, #tpu.memory_space<vmem>>
    %dma_start3A_108 = arith.constant 0 : i32
    %dma_start3A_109 = tpu.memref_slice %arg12[%dma_start3A_108] : memref<1000000xf32, #tpu.memory_space<hbm>> -> memref<1000000xf32, #tpu.memory_space<hbm>>
    tpu.enqueue_indirect_dma source(%dma_start3A_109 : memref<1000000xf32, #tpu.memory_space<hbm>>) target(%dma_start3A_104 : memref<512xf32, #tpu.memory_space<vmem>>) offsets(%dma_start3A_107 : memref<512xi32, #tpu.memory_space<vmem>>) semaphore(%arg33 : memref<!tpu.dma_semaphore, #tpu.memory_space<semaphore_mem>>)
    %dma_start3A_110 = arith.constant 11 : i32
    %dma_start3A_111 = arith.constant 11 : i32
    %dma_start3A_112 = arith.constant 0 : i32
    %dma_start3A_113 = tpu.memref_slice %arg31[%dma_start3A_111, %dma_start3A_112] : memref<26x512xf32, #tpu.memory_space<vmem>> -> memref<1x512xf32, #tpu.memory_space<vmem>>
    %dma_start3A_114 = tpu.memref_squeeze %dma_start3A_113 : memref<1x512xf32, #tpu.memory_space<vmem>> -> memref<512xf32, #tpu.memory_space<vmem>>
    %dma_start3A_115 = arith.constant 0 : i32
    %dma_start3A_116 = tpu.memref_slice %arg30[%dma_start3A_110, %dma_start3A_115] : memref<26x512xi32, #tpu.memory_space<vmem>> -> memref<1x512xi32, #tpu.memory_space<vmem>>
    %dma_start3A_117 = tpu.memref_squeeze %dma_start3A_116 : memref<1x512xi32, #tpu.memory_space<vmem>> -> memref<512xi32, #tpu.memory_space<vmem>>
    %dma_start3A_118 = arith.constant 0 : i32
    %dma_start3A_119 = tpu.memref_slice %arg13[%dma_start3A_118] : memref<1000000xf32, #tpu.memory_space<hbm>> -> memref<1000000xf32, #tpu.memory_space<hbm>>
    tpu.enqueue_indirect_dma source(%dma_start3A_119 : memref<1000000xf32, #tpu.memory_space<hbm>>) target(%dma_start3A_114 : memref<512xf32, #tpu.memory_space<vmem>>) offsets(%dma_start3A_117 : memref<512xi32, #tpu.memory_space<vmem>>) semaphore(%arg33 : memref<!tpu.dma_semaphore, #tpu.memory_space<semaphore_mem>>)
    %dma_start3A_120 = arith.constant 12 : i32
    %dma_start3A_121 = arith.constant 12 : i32
    %dma_start3A_122 = arith.constant 0 : i32
    %dma_start3A_123 = tpu.memref_slice %arg31[%dma_start3A_121, %dma_start3A_122] : memref<26x512xf32, #tpu.memory_space<vmem>> -> memref<1x512xf32, #tpu.memory_space<vmem>>
    %dma_start3A_124 = tpu.memref_squeeze %dma_start3A_123 : memref<1x512xf32, #tpu.memory_space<vmem>> -> memref<512xf32, #tpu.memory_space<vmem>>
    %dma_start3A_125 = arith.constant 0 : i32
    %dma_start3A_126 = tpu.memref_slice %arg30[%dma_start3A_120, %dma_start3A_125] : memref<26x512xi32, #tpu.memory_space<vmem>> -> memref<1x512xi32, #tpu.memory_space<vmem>>
    %dma_start3A_127 = tpu.memref_squeeze %dma_start3A_126 : memref<1x512xi32, #tpu.memory_space<vmem>> -> memref<512xi32, #tpu.memory_space<vmem>>
    %dma_start3A_128 = arith.constant 0 : i32
    %dma_start3A_129 = tpu.memref_slice %arg14[%dma_start3A_128] : memref<1000000xf32, #tpu.memory_space<hbm>> -> memref<1000000xf32, #tpu.memory_space<hbm>>
    tpu.enqueue_indirect_dma source(%dma_start3A_129 : memref<1000000xf32, #tpu.memory_space<hbm>>) target(%dma_start3A_124 : memref<512xf32, #tpu.memory_space<vmem>>) offsets(%dma_start3A_127 : memref<512xi32, #tpu.memory_space<vmem>>) semaphore(%arg33 : memref<!tpu.dma_semaphore, #tpu.memory_space<semaphore_mem>>)
    %dma_start3A_130 = arith.constant 13 : i32
    %dma_start3A_131 = arith.constant 13 : i32
    %dma_start3A_132 = arith.constant 0 : i32
    %dma_start3A_133 = tpu.memref_slice %arg31[%dma_start3A_131, %dma_start3A_132] : memref<26x512xf32, #tpu.memory_space<vmem>> -> memref<1x512xf32, #tpu.memory_space<vmem>>
    %dma_start3A_134 = tpu.memref_squeeze %dma_start3A_133 : memref<1x512xf32, #tpu.memory_space<vmem>> -> memref<512xf32, #tpu.memory_space<vmem>>
    %dma_start3A_135 = arith.constant 0 : i32
    %dma_start3A_136 = tpu.memref_slice %arg30[%dma_start3A_130, %dma_start3A_135] : memref<26x512xi32, #tpu.memory_space<vmem>> -> memref<1x512xi32, #tpu.memory_space<vmem>>
    %dma_start3A_137 = tpu.memref_squeeze %dma_start3A_136 : memref<1x512xi32, #tpu.memory_space<vmem>> -> memref<512xi32, #tpu.memory_space<vmem>>
    %dma_start3A_138 = arith.constant 0 : i32
    %dma_start3A_139 = tpu.memref_slice %arg15[%dma_start3A_138] : memref<1000000xf32, #tpu.memory_space<hbm>> -> memref<1000000xf32, #tpu.memory_space<hbm>>
    tpu.enqueue_indirect_dma source(%dma_start3A_139 : memref<1000000xf32, #tpu.memory_space<hbm>>) target(%dma_start3A_134 : memref<512xf32, #tpu.memory_space<vmem>>) offsets(%dma_start3A_137 : memref<512xi32, #tpu.memory_space<vmem>>) semaphore(%arg33 : memref<!tpu.dma_semaphore, #tpu.memory_space<semaphore_mem>>)
    %dma_start3A_140 = arith.constant 14 : i32
    %dma_start3A_141 = arith.constant 14 : i32
    %dma_start3A_142 = arith.constant 0 : i32
    %dma_start3A_143 = tpu.memref_slice %arg31[%dma_start3A_141, %dma_start3A_142] : memref<26x512xf32, #tpu.memory_space<vmem>> -> memref<1x512xf32, #tpu.memory_space<vmem>>
    %dma_start3A_144 = tpu.memref_squeeze %dma_start3A_143 : memref<1x512xf32, #tpu.memory_space<vmem>> -> memref<512xf32, #tpu.memory_space<vmem>>
    %dma_start3A_145 = arith.constant 0 : i32
    %dma_start3A_146 = tpu.memref_slice %arg30[%dma_start3A_140, %dma_start3A_145] : memref<26x512xi32, #tpu.memory_space<vmem>> -> memref<1x512xi32, #tpu.memory_space<vmem>>
    %dma_start3A_147 = tpu.memref_squeeze %dma_start3A_146 : memref<1x512xi32, #tpu.memory_space<vmem>> -> memref<512xi32, #tpu.memory_space<vmem>>
    %dma_start3A_148 = arith.constant 0 : i32
    %dma_start3A_149 = tpu.memref_slice %arg16[%dma_start3A_148] : memref<1000000xf32, #tpu.memory_space<hbm>> -> memref<1000000xf32, #tpu.memory_space<hbm>>
    tpu.enqueue_indirect_dma source(%dma_start3A_149 : memref<1000000xf32, #tpu.memory_space<hbm>>) target(%dma_start3A_144 : memref<512xf32, #tpu.memory_space<vmem>>) offsets(%dma_start3A_147 : memref<512xi32, #tpu.memory_space<vmem>>) semaphore(%arg33 : memref<!tpu.dma_semaphore, #tpu.memory_space<semaphore_mem>>)
    %dma_start3A_150 = arith.constant 15 : i32
    %dma_start3A_151 = arith.constant 15 : i32
    %dma_start3A_152 = arith.constant 0 : i32
    %dma_start3A_153 = tpu.memref_slice %arg31[%dma_start3A_151, %dma_start3A_152] : memref<26x512xf32, #tpu.memory_space<vmem>> -> memref<1x512xf32, #tpu.memory_space<vmem>>
    %dma_start3A_154 = tpu.memref_squeeze %dma_start3A_153 : memref<1x512xf32, #tpu.memory_space<vmem>> -> memref<512xf32, #tpu.memory_space<vmem>>
    %dma_start3A_155 = arith.constant 0 : i32
    %dma_start3A_156 = tpu.memref_slice %arg30[%dma_start3A_150, %dma_start3A_155] : memref<26x512xi32, #tpu.memory_space<vmem>> -> memref<1x512xi32, #tpu.memory_space<vmem>>
    %dma_start3A_157 = tpu.memref_squeeze %dma_start3A_156 : memref<1x512xi32, #tpu.memory_space<vmem>> -> memref<512xi32, #tpu.memory_space<vmem>>
    %dma_start3A_158 = arith.constant 0 : i32
    %dma_start3A_159 = tpu.memref_slice %arg17[%dma_start3A_158] : memref<1000000xf32, #tpu.memory_space<hbm>> -> memref<1000000xf32, #tpu.memory_space<hbm>>
    tpu.enqueue_indirect_dma source(%dma_start3A_159 : memref<1000000xf32, #tpu.memory_space<hbm>>) target(%dma_start3A_154 : memref<512xf32, #tpu.memory_space<vmem>>) offsets(%dma_start3A_157 : memref<512xi32, #tpu.memory_space<vmem>>) semaphore(%arg33 : memref<!tpu.dma_semaphore, #tpu.memory_space<semaphore_mem>>)
    %dma_start3A_160 = arith.constant 16 : i32
    %dma_start3A_161 = arith.constant 16 : i32
    %dma_start3A_162 = arith.constant 0 : i32
    %dma_start3A_163 = tpu.memref_slice %arg31[%dma_start3A_161, %dma_start3A_162] : memref<26x512xf32, #tpu.memory_space<vmem>> -> memref<1x512xf32, #tpu.memory_space<vmem>>
    %dma_start3A_164 = tpu.memref_squeeze %dma_start3A_163 : memref<1x512xf32, #tpu.memory_space<vmem>> -> memref<512xf32, #tpu.memory_space<vmem>>
    %dma_start3A_165 = arith.constant 0 : i32
    %dma_start3A_166 = tpu.memref_slice %arg30[%dma_start3A_160, %dma_start3A_165] : memref<26x512xi32, #tpu.memory_space<vmem>> -> memref<1x512xi32, #tpu.memory_space<vmem>>
    %dma_start3A_167 = tpu.memref_squeeze %dma_start3A_166 : memref<1x512xi32, #tpu.memory_space<vmem>> -> memref<512xi32, #tpu.memory_space<vmem>>
    %dma_start3A_168 = arith.constant 0 : i32
    %dma_start3A_169 = tpu.memref_slice %arg18[%dma_start3A_168] : memref<1000000xf32, #tpu.memory_space<hbm>> -> memref<1000000xf32, #tpu.memory_space<hbm>>
    tpu.enqueue_indirect_dma source(%dma_start3A_169 : memref<1000000xf32, #tpu.memory_space<hbm>>) target(%dma_start3A_164 : memref<512xf32, #tpu.memory_space<vmem>>) offsets(%dma_start3A_167 : memref<512xi32, #tpu.memory_space<vmem>>) semaphore(%arg33 : memref<!tpu.dma_semaphore, #tpu.memory_space<semaphore_mem>>)
    %dma_start3A_170 = arith.constant 17 : i32
    %dma_start3A_171 = arith.constant 17 : i32
    %dma_start3A_172 = arith.constant 0 : i32
    %dma_start3A_173 = tpu.memref_slice %arg31[%dma_start3A_171, %dma_start3A_172] : memref<26x512xf32, #tpu.memory_space<vmem>> -> memref<1x512xf32, #tpu.memory_space<vmem>>
    %dma_start3A_174 = tpu.memref_squeeze %dma_start3A_173 : memref<1x512xf32, #tpu.memory_space<vmem>> -> memref<512xf32, #tpu.memory_space<vmem>>
    %dma_start3A_175 = arith.constant 0 : i32
    %dma_start3A_176 = tpu.memref_slice %arg30[%dma_start3A_170, %dma_start3A_175] : memref<26x512xi32, #tpu.memory_space<vmem>> -> memref<1x512xi32, #tpu.memory_space<vmem>>
    %dma_start3A_177 = tpu.memref_squeeze %dma_start3A_176 : memref<1x512xi32, #tpu.memory_space<vmem>> -> memref<512xi32, #tpu.memory_space<vmem>>
    %dma_start3A_178 = arith.constant 0 : i32
    %dma_start3A_179 = tpu.memref_slice %arg19[%dma_start3A_178] : memref<1000000xf32, #tpu.memory_space<hbm>> -> memref<1000000xf32, #tpu.memory_space<hbm>>
    tpu.enqueue_indirect_dma source(%dma_start3A_179 : memref<1000000xf32, #tpu.memory_space<hbm>>) target(%dma_start3A_174 : memref<512xf32, #tpu.memory_space<vmem>>) offsets(%dma_start3A_177 : memref<512xi32, #tpu.memory_space<vmem>>) semaphore(%arg33 : memref<!tpu.dma_semaphore, #tpu.memory_space<semaphore_mem>>)
    %dma_start3A_180 = arith.constant 18 : i32
    %dma_start3A_181 = arith.constant 18 : i32
    %dma_start3A_182 = arith.constant 0 : i32
    %dma_start3A_183 = tpu.memref_slice %arg31[%dma_start3A_181, %dma_start3A_182] : memref<26x512xf32, #tpu.memory_space<vmem>> -> memref<1x512xf32, #tpu.memory_space<vmem>>
    %dma_start3A_184 = tpu.memref_squeeze %dma_start3A_183 : memref<1x512xf32, #tpu.memory_space<vmem>> -> memref<512xf32, #tpu.memory_space<vmem>>
    %dma_start3A_185 = arith.constant 0 : i32
    %dma_start3A_186 = tpu.memref_slice %arg30[%dma_start3A_180, %dma_start3A_185] : memref<26x512xi32, #tpu.memory_space<vmem>> -> memref<1x512xi32, #tpu.memory_space<vmem>>
    %dma_start3A_187 = tpu.memref_squeeze %dma_start3A_186 : memref<1x512xi32, #tpu.memory_space<vmem>> -> memref<512xi32, #tpu.memory_space<vmem>>
    %dma_start3A_188 = arith.constant 0 : i32
    %dma_start3A_189 = tpu.memref_slice %arg20[%dma_start3A_188] : memref<1000000xf32, #tpu.memory_space<hbm>> -> memref<1000000xf32, #tpu.memory_space<hbm>>
    tpu.enqueue_indirect_dma source(%dma_start3A_189 : memref<1000000xf32, #tpu.memory_space<hbm>>) target(%dma_start3A_184 : memref<512xf32, #tpu.memory_space<vmem>>) offsets(%dma_start3A_187 : memref<512xi32, #tpu.memory_space<vmem>>) semaphore(%arg33 : memref<!tpu.dma_semaphore, #tpu.memory_space<semaphore_mem>>)
    %dma_start3A_190 = arith.constant 19 : i32
    %dma_start3A_191 = arith.constant 19 : i32
    %dma_start3A_192 = arith.constant 0 : i32
    %dma_start3A_193 = tpu.memref_slice %arg31[%dma_start3A_191, %dma_start3A_192] : memref<26x512xf32, #tpu.memory_space<vmem>> -> memref<1x512xf32, #tpu.memory_space<vmem>>
    %dma_start3A_194 = tpu.memref_squeeze %dma_start3A_193 : memref<1x512xf32, #tpu.memory_space<vmem>> -> memref<512xf32, #tpu.memory_space<vmem>>
    %dma_start3A_195 = arith.constant 0 : i32
    %dma_start3A_196 = tpu.memref_slice %arg30[%dma_start3A_190, %dma_start3A_195] : memref<26x512xi32, #tpu.memory_space<vmem>> -> memref<1x512xi32, #tpu.memory_space<vmem>>
    %dma_start3A_197 = tpu.memref_squeeze %dma_start3A_196 : memref<1x512xi32, #tpu.memory_space<vmem>> -> memref<512xi32, #tpu.memory_space<vmem>>
    %dma_start3A_198 = arith.constant 0 : i32
    %dma_start3A_199 = tpu.memref_slice %arg21[%dma_start3A_198] : memref<1000000xf32, #tpu.memory_space<hbm>> -> memref<1000000xf32, #tpu.memory_space<hbm>>
    tpu.enqueue_indirect_dma source(%dma_start3A_199 : memref<1000000xf32, #tpu.memory_space<hbm>>) target(%dma_start3A_194 : memref<512xf32, #tpu.memory_space<vmem>>) offsets(%dma_start3A_197 : memref<512xi32, #tpu.memory_space<vmem>>) semaphore(%arg33 : memref<!tpu.dma_semaphore, #tpu.memory_space<semaphore_mem>>)
    %dma_start3A_200 = arith.constant 20 : i32
    %dma_start3A_201 = arith.constant 20 : i32
    %dma_start3A_202 = arith.constant 0 : i32
    %dma_start3A_203 = tpu.memref_slice %arg31[%dma_start3A_201, %dma_start3A_202] : memref<26x512xf32, #tpu.memory_space<vmem>> -> memref<1x512xf32, #tpu.memory_space<vmem>>
    %dma_start3A_204 = tpu.memref_squeeze %dma_start3A_203 : memref<1x512xf32, #tpu.memory_space<vmem>> -> memref<512xf32, #tpu.memory_space<vmem>>
    %dma_start3A_205 = arith.constant 0 : i32
    %dma_start3A_206 = tpu.memref_slice %arg30[%dma_start3A_200, %dma_start3A_205] : memref<26x512xi32, #tpu.memory_space<vmem>> -> memref<1x512xi32, #tpu.memory_space<vmem>>
    %dma_start3A_207 = tpu.memref_squeeze %dma_start3A_206 : memref<1x512xi32, #tpu.memory_space<vmem>> -> memref<512xi32, #tpu.memory_space<vmem>>
    %dma_start3A_208 = arith.constant 0 : i32
    %dma_start3A_209 = tpu.memref_slice %arg22[%dma_start3A_208] : memref<1000000xf32, #tpu.memory_space<hbm>> -> memref<1000000xf32, #tpu.memory_space<hbm>>
    tpu.enqueue_indirect_dma source(%dma_start3A_209 : memref<1000000xf32, #tpu.memory_space<hbm>>) target(%dma_start3A_204 : memref<512xf32, #tpu.memory_space<vmem>>) offsets(%dma_start3A_207 : memref<512xi32, #tpu.memory_space<vmem>>) semaphore(%arg33 : memref<!tpu.dma_semaphore, #tpu.memory_space<semaphore_mem>>)
    %dma_start3A_210 = arith.constant 21 : i32
    %dma_start3A_211 = arith.constant 21 : i32
    %dma_start3A_212 = arith.constant 0 : i32
    %dma_start3A_213 = tpu.memref_slice %arg31[%dma_start3A_211, %dma_start3A_212] : memref<26x512xf32, #tpu.memory_space<vmem>> -> memref<1x512xf32, #tpu.memory_space<vmem>>
    %dma_start3A_214 = tpu.memref_squeeze %dma_start3A_213 : memref<1x512xf32, #tpu.memory_space<vmem>> -> memref<512xf32, #tpu.memory_space<vmem>>
    %dma_start3A_215 = arith.constant 0 : i32
    %dma_start3A_216 = tpu.memref_slice %arg30[%dma_start3A_210, %dma_start3A_215] : memref<26x512xi32, #tpu.memory_space<vmem>> -> memref<1x512xi32, #tpu.memory_space<vmem>>
    %dma_start3A_217 = tpu.memref_squeeze %dma_start3A_216 : memref<1x512xi32, #tpu.memory_space<vmem>> -> memref<512xi32, #tpu.memory_space<vmem>>
    %dma_start3A_218 = arith.constant 0 : i32
    %dma_start3A_219 = tpu.memref_slice %arg23[%dma_start3A_218] : memref<1000000xf32, #tpu.memory_space<hbm>> -> memref<1000000xf32, #tpu.memory_space<hbm>>
    tpu.enqueue_indirect_dma source(%dma_start3A_219 : memref<1000000xf32, #tpu.memory_space<hbm>>) target(%dma_start3A_214 : memref<512xf32, #tpu.memory_space<vmem>>) offsets(%dma_start3A_217 : memref<512xi32, #tpu.memory_space<vmem>>) semaphore(%arg33 : memref<!tpu.dma_semaphore, #tpu.memory_space<semaphore_mem>>)
    %dma_start3A_220 = arith.constant 22 : i32
    %dma_start3A_221 = arith.constant 22 : i32
    %dma_start3A_222 = arith.constant 0 : i32
    %dma_start3A_223 = tpu.memref_slice %arg31[%dma_start3A_221, %dma_start3A_222] : memref<26x512xf32, #tpu.memory_space<vmem>> -> memref<1x512xf32, #tpu.memory_space<vmem>>
    %dma_start3A_224 = tpu.memref_squeeze %dma_start3A_223 : memref<1x512xf32, #tpu.memory_space<vmem>> -> memref<512xf32, #tpu.memory_space<vmem>>
    %dma_start3A_225 = arith.constant 0 : i32
    %dma_start3A_226 = tpu.memref_slice %arg30[%dma_start3A_220, %dma_start3A_225] : memref<26x512xi32, #tpu.memory_space<vmem>> -> memref<1x512xi32, #tpu.memory_space<vmem>>
    %dma_start3A_227 = tpu.memref_squeeze %dma_start3A_226 : memref<1x512xi32, #tpu.memory_space<vmem>> -> memref<512xi32, #tpu.memory_space<vmem>>
    %dma_start3A_228 = arith.constant 0 : i32
    %dma_start3A_229 = tpu.memref_slice %arg24[%dma_start3A_228] : memref<1000000xf32, #tpu.memory_space<hbm>> -> memref<1000000xf32, #tpu.memory_space<hbm>>
    tpu.enqueue_indirect_dma source(%dma_start3A_229 : memref<1000000xf32, #tpu.memory_space<hbm>>) target(%dma_start3A_224 : memref<512xf32, #tpu.memory_space<vmem>>) offsets(%dma_start3A_227 : memref<512xi32, #tpu.memory_space<vmem>>) semaphore(%arg33 : memref<!tpu.dma_semaphore, #tpu.memory_space<semaphore_mem>>)
    %dma_start3A_230 = arith.constant 23 : i32
    %dma_start3A_231 = arith.constant 23 : i32
    %dma_start3A_232 = arith.constant 0 : i32
    %dma_start3A_233 = tpu.memref_slice %arg31[%dma_start3A_231, %dma_start3A_232] : memref<26x512xf32, #tpu.memory_space<vmem>> -> memref<1x512xf32, #tpu.memory_space<vmem>>
    %dma_start3A_234 = tpu.memref_squeeze %dma_start3A_233 : memref<1x512xf32, #tpu.memory_space<vmem>> -> memref<512xf32, #tpu.memory_space<vmem>>
    %dma_start3A_235 = arith.constant 0 : i32
    %dma_start3A_236 = tpu.memref_slice %arg30[%dma_start3A_230, %dma_start3A_235] : memref<26x512xi32, #tpu.memory_space<vmem>> -> memref<1x512xi32, #tpu.memory_space<vmem>>
    %dma_start3A_237 = tpu.memref_squeeze %dma_start3A_236 : memref<1x512xi32, #tpu.memory_space<vmem>> -> memref<512xi32, #tpu.memory_space<vmem>>
    %dma_start3A_238 = arith.constant 0 : i32
    %dma_start3A_239 = tpu.memref_slice %arg25[%dma_start3A_238] : memref<1000000xf32, #tpu.memory_space<hbm>> -> memref<1000000xf32, #tpu.memory_space<hbm>>
    tpu.enqueue_indirect_dma source(%dma_start3A_239 : memref<1000000xf32, #tpu.memory_space<hbm>>) target(%dma_start3A_234 : memref<512xf32, #tpu.memory_space<vmem>>) offsets(%dma_start3A_237 : memref<512xi32, #tpu.memory_space<vmem>>) semaphore(%arg33 : memref<!tpu.dma_semaphore, #tpu.memory_space<semaphore_mem>>)
    %dma_start3A_240 = arith.constant 24 : i32
    %dma_start3A_241 = arith.constant 24 : i32
    %dma_start3A_242 = arith.constant 0 : i32
    %dma_start3A_243 = tpu.memref_slice %arg31[%dma_start3A_241, %dma_start3A_242] : memref<26x512xf32, #tpu.memory_space<vmem>> -> memref<1x512xf32, #tpu.memory_space<vmem>>
    %dma_start3A_244 = tpu.memref_squeeze %dma_start3A_243 : memref<1x512xf32, #tpu.memory_space<vmem>> -> memref<512xf32, #tpu.memory_space<vmem>>
    %dma_start3A_245 = arith.constant 0 : i32
    %dma_start3A_246 = tpu.memref_slice %arg30[%dma_start3A_240, %dma_start3A_245] : memref<26x512xi32, #tpu.memory_space<vmem>> -> memref<1x512xi32, #tpu.memory_space<vmem>>
    %dma_start3A_247 = tpu.memref_squeeze %dma_start3A_246 : memref<1x512xi32, #tpu.memory_space<vmem>> -> memref<512xi32, #tpu.memory_space<vmem>>
    %dma_start3A_248 = arith.constant 0 : i32
    %dma_start3A_249 = tpu.memref_slice %arg26[%dma_start3A_248] : memref<1000000xf32, #tpu.memory_space<hbm>> -> memref<1000000xf32, #tpu.memory_space<hbm>>
    tpu.enqueue_indirect_dma source(%dma_start3A_249 : memref<1000000xf32, #tpu.memory_space<hbm>>) target(%dma_start3A_244 : memref<512xf32, #tpu.memory_space<vmem>>) offsets(%dma_start3A_247 : memref<512xi32, #tpu.memory_space<vmem>>) semaphore(%arg33 : memref<!tpu.dma_semaphore, #tpu.memory_space<semaphore_mem>>)
    %dma_start3A_250 = arith.constant 25 : i32
    %dma_start3A_251 = arith.constant 25 : i32
    %dma_start3A_252 = arith.constant 0 : i32
    %dma_start3A_253 = tpu.memref_slice %arg31[%dma_start3A_251, %dma_start3A_252] : memref<26x512xf32, #tpu.memory_space<vmem>> -> memref<1x512xf32, #tpu.memory_space<vmem>>
    %dma_start3A_254 = tpu.memref_squeeze %dma_start3A_253 : memref<1x512xf32, #tpu.memory_space<vmem>> -> memref<512xf32, #tpu.memory_space<vmem>>
    %dma_start3A_255 = arith.constant 0 : i32
    %dma_start3A_256 = tpu.memref_slice %arg30[%dma_start3A_250, %dma_start3A_255] : memref<26x512xi32, #tpu.memory_space<vmem>> -> memref<1x512xi32, #tpu.memory_space<vmem>>
    %dma_start3A_257 = tpu.memref_squeeze %dma_start3A_256 : memref<1x512xi32, #tpu.memory_space<vmem>> -> memref<512xi32, #tpu.memory_space<vmem>>
    %dma_start3A_258 = arith.constant 0 : i32
    %dma_start3A_259 = tpu.memref_slice %arg27[%dma_start3A_258] : memref<1000000xf32, #tpu.memory_space<hbm>> -> memref<1000000xf32, #tpu.memory_space<hbm>>
    tpu.enqueue_indirect_dma source(%dma_start3A_259 : memref<1000000xf32, #tpu.memory_space<hbm>>) target(%dma_start3A_254 : memref<512xf32, #tpu.memory_space<vmem>>) offsets(%dma_start3A_257 : memref<512xi32, #tpu.memory_space<vmem>>) semaphore(%arg33 : memref<!tpu.dma_semaphore, #tpu.memory_space<semaphore_mem>>)
    %dma_wait3A = arith.constant 0 : i32
    %dma_wait3A_260 = arith.constant 0 : i32
    %dma_wait3A_261 = arith.constant 0 : i32
    %dma_wait3A_262 = tpu.memref_slice %arg31[%dma_wait3A_260, %dma_wait3A_261] : memref<26x512xf32, #tpu.memory_space<vmem>> -> memref<1x512xf32, #tpu.memory_space<vmem>>
    %dma_wait3A_263 = tpu.memref_squeeze %dma_wait3A_262 : memref<1x512xf32, #tpu.memory_space<vmem>> -> memref<512xf32, #tpu.memory_space<vmem>>
    %dma_wait3A_264 = arith.constant 0 : i32
    %dma_wait3A_265 = tpu.memref_slice %arg30[%dma_wait3A, %dma_wait3A_264] : memref<26x512xi32, #tpu.memory_space<vmem>> -> memref<1x512xi32, #tpu.memory_space<vmem>>
    %dma_wait3A_266 = tpu.memref_squeeze %dma_wait3A_265 : memref<1x512xi32, #tpu.memory_space<vmem>> -> memref<512xi32, #tpu.memory_space<vmem>>
    %dma_wait3A_267 = arith.constant 0 : i32
    %dma_wait3A_268 = tpu.memref_slice %arg2[%dma_wait3A_267] : memref<1000000xf32, #tpu.memory_space<hbm>> -> memref<1000000xf32, #tpu.memory_space<hbm>>
    tpu.wait_indirect_dma semaphore(%arg33 : memref<!tpu.dma_semaphore, #tpu.memory_space<semaphore_mem>>) src(%dma_wait3A_268 : memref<1000000xf32, #tpu.memory_space<hbm>>) dst(%dma_wait3A_263 : memref<512xf32, #tpu.memory_space<vmem>>)
    %dma_wait3A_269 = arith.constant 1 : i32
    %dma_wait3A_270 = arith.constant 1 : i32
    %dma_wait3A_271 = arith.constant 0 : i32
    %dma_wait3A_272 = tpu.memref_slice %arg31[%dma_wait3A_270, %dma_wait3A_271] : memref<26x512xf32, #tpu.memory_space<vmem>> -> memref<1x512xf32, #tpu.memory_space<vmem>>
    %dma_wait3A_273 = tpu.memref_squeeze %dma_wait3A_272 : memref<1x512xf32, #tpu.memory_space<vmem>> -> memref<512xf32, #tpu.memory_space<vmem>>
    %dma_wait3A_274 = arith.constant 0 : i32
    %dma_wait3A_275 = tpu.memref_slice %arg30[%dma_wait3A_269, %dma_wait3A_274] : memref<26x512xi32, #tpu.memory_space<vmem>> -> memref<1x512xi32, #tpu.memory_space<vmem>>
    %dma_wait3A_276 = tpu.memref_squeeze %dma_wait3A_275 : memref<1x512xi32, #tpu.memory_space<vmem>> -> memref<512xi32, #tpu.memory_space<vmem>>
    %dma_wait3A_277 = arith.constant 0 : i32
    %dma_wait3A_278 = tpu.memref_slice %arg3[%dma_wait3A_277] : memref<1000000xf32, #tpu.memory_space<hbm>> -> memref<1000000xf32, #tpu.memory_space<hbm>>
    tpu.wait_indirect_dma semaphore(%arg33 : memref<!tpu.dma_semaphore, #tpu.memory_space<semaphore_mem>>) src(%dma_wait3A_278 : memref<1000000xf32, #tpu.memory_space<hbm>>) dst(%dma_wait3A_273 : memref<512xf32, #tpu.memory_space<vmem>>)
    %dma_wait3A_279 = arith.constant 2 : i32
    %dma_wait3A_280 = arith.constant 2 : i32
    %dma_wait3A_281 = arith.constant 0 : i32
    %dma_wait3A_282 = tpu.memref_slice %arg31[%dma_wait3A_280, %dma_wait3A_281] : memref<26x512xf32, #tpu.memory_space<vmem>> -> memref<1x512xf32, #tpu.memory_space<vmem>>
    %dma_wait3A_283 = tpu.memref_squeeze %dma_wait3A_282 : memref<1x512xf32, #tpu.memory_space<vmem>> -> memref<512xf32, #tpu.memory_space<vmem>>
    %dma_wait3A_284 = arith.constant 0 : i32
    %dma_wait3A_285 = tpu.memref_slice %arg30[%dma_wait3A_279, %dma_wait3A_284] : memref<26x512xi32, #tpu.memory_space<vmem>> -> memref<1x512xi32, #tpu.memory_space<vmem>>
    %dma_wait3A_286 = tpu.memref_squeeze %dma_wait3A_285 : memref<1x512xi32, #tpu.memory_space<vmem>> -> memref<512xi32, #tpu.memory_space<vmem>>
    %dma_wait3A_287 = arith.constant 0 : i32
    %dma_wait3A_288 = tpu.memref_slice %arg4[%dma_wait3A_287] : memref<1000000xf32, #tpu.memory_space<hbm>> -> memref<1000000xf32, #tpu.memory_space<hbm>>
    tpu.wait_indirect_dma semaphore(%arg33 : memref<!tpu.dma_semaphore, #tpu.memory_space<semaphore_mem>>) src(%dma_wait3A_288 : memref<1000000xf32, #tpu.memory_space<hbm>>) dst(%dma_wait3A_283 : memref<512xf32, #tpu.memory_space<vmem>>)
    %dma_wait3A_289 = arith.constant 3 : i32
    %dma_wait3A_290 = arith.constant 3 : i32
    %dma_wait3A_291 = arith.constant 0 : i32
    %dma_wait3A_292 = tpu.memref_slice %arg31[%dma_wait3A_290, %dma_wait3A_291] : memref<26x512xf32, #tpu.memory_space<vmem>> -> memref<1x512xf32, #tpu.memory_space<vmem>>
    %dma_wait3A_293 = tpu.memref_squeeze %dma_wait3A_292 : memref<1x512xf32, #tpu.memory_space<vmem>> -> memref<512xf32, #tpu.memory_space<vmem>>
    %dma_wait3A_294 = arith.constant 0 : i32
    %dma_wait3A_295 = tpu.memref_slice %arg30[%dma_wait3A_289, %dma_wait3A_294] : memref<26x512xi32, #tpu.memory_space<vmem>> -> memref<1x512xi32, #tpu.memory_space<vmem>>
    %dma_wait3A_296 = tpu.memref_squeeze %dma_wait3A_295 : memref<1x512xi32, #tpu.memory_space<vmem>> -> memref<512xi32, #tpu.memory_space<vmem>>
    %dma_wait3A_297 = arith.constant 0 : i32
    %dma_wait3A_298 = tpu.memref_slice %arg5[%dma_wait3A_297] : memref<1000000xf32, #tpu.memory_space<hbm>> -> memref<1000000xf32, #tpu.memory_space<hbm>>
    tpu.wait_indirect_dma semaphore(%arg33 : memref<!tpu.dma_semaphore, #tpu.memory_space<semaphore_mem>>) src(%dma_wait3A_298 : memref<1000000xf32, #tpu.memory_space<hbm>>) dst(%dma_wait3A_293 : memref<512xf32, #tpu.memory_space<vmem>>)
    %dma_wait3A_299 = arith.constant 4 : i32
    %dma_wait3A_300 = arith.constant 4 : i32
    %dma_wait3A_301 = arith.constant 0 : i32
    %dma_wait3A_302 = tpu.memref_slice %arg31[%dma_wait3A_300, %dma_wait3A_301] : memref<26x512xf32, #tpu.memory_space<vmem>> -> memref<1x512xf32, #tpu.memory_space<vmem>>
    %dma_wait3A_303 = tpu.memref_squeeze %dma_wait3A_302 : memref<1x512xf32, #tpu.memory_space<vmem>> -> memref<512xf32, #tpu.memory_space<vmem>>
    %dma_wait3A_304 = arith.constant 0 : i32
    %dma_wait3A_305 = tpu.memref_slice %arg30[%dma_wait3A_299, %dma_wait3A_304] : memref<26x512xi32, #tpu.memory_space<vmem>> -> memref<1x512xi32, #tpu.memory_space<vmem>>
    %dma_wait3A_306 = tpu.memref_squeeze %dma_wait3A_305 : memref<1x512xi32, #tpu.memory_space<vmem>> -> memref<512xi32, #tpu.memory_space<vmem>>
    %dma_wait3A_307 = arith.constant 0 : i32
    %dma_wait3A_308 = tpu.memref_slice %arg6[%dma_wait3A_307] : memref<1000000xf32, #tpu.memory_space<hbm>> -> memref<1000000xf32, #tpu.memory_space<hbm>>
    tpu.wait_indirect_dma semaphore(%arg33 : memref<!tpu.dma_semaphore, #tpu.memory_space<semaphore_mem>>) src(%dma_wait3A_308 : memref<1000000xf32, #tpu.memory_space<hbm>>) dst(%dma_wait3A_303 : memref<512xf32, #tpu.memory_space<vmem>>)
    %dma_wait3A_309 = arith.constant 5 : i32
    %dma_wait3A_310 = arith.constant 5 : i32
    %dma_wait3A_311 = arith.constant 0 : i32
    %dma_wait3A_312 = tpu.memref_slice %arg31[%dma_wait3A_310, %dma_wait3A_311] : memref<26x512xf32, #tpu.memory_space<vmem>> -> memref<1x512xf32, #tpu.memory_space<vmem>>
    %dma_wait3A_313 = tpu.memref_squeeze %dma_wait3A_312 : memref<1x512xf32, #tpu.memory_space<vmem>> -> memref<512xf32, #tpu.memory_space<vmem>>
    %dma_wait3A_314 = arith.constant 0 : i32
    %dma_wait3A_315 = tpu.memref_slice %arg30[%dma_wait3A_309, %dma_wait3A_314] : memref<26x512xi32, #tpu.memory_space<vmem>> -> memref<1x512xi32, #tpu.memory_space<vmem>>
    %dma_wait3A_316 = tpu.memref_squeeze %dma_wait3A_315 : memref<1x512xi32, #tpu.memory_space<vmem>> -> memref<512xi32, #tpu.memory_space<vmem>>
    %dma_wait3A_317 = arith.constant 0 : i32
    %dma_wait3A_318 = tpu.memref_slice %arg7[%dma_wait3A_317] : memref<1000000xf32, #tpu.memory_space<hbm>> -> memref<1000000xf32, #tpu.memory_space<hbm>>
    tpu.wait_indirect_dma semaphore(%arg33 : memref<!tpu.dma_semaphore, #tpu.memory_space<semaphore_mem>>) src(%dma_wait3A_318 : memref<1000000xf32, #tpu.memory_space<hbm>>) dst(%dma_wait3A_313 : memref<512xf32, #tpu.memory_space<vmem>>)
    %dma_wait3A_319 = arith.constant 6 : i32
    %dma_wait3A_320 = arith.constant 6 : i32
    %dma_wait3A_321 = arith.constant 0 : i32
    %dma_wait3A_322 = tpu.memref_slice %arg31[%dma_wait3A_320, %dma_wait3A_321] : memref<26x512xf32, #tpu.memory_space<vmem>> -> memref<1x512xf32, #tpu.memory_space<vmem>>
    %dma_wait3A_323 = tpu.memref_squeeze %dma_wait3A_322 : memref<1x512xf32, #tpu.memory_space<vmem>> -> memref<512xf32, #tpu.memory_space<vmem>>
    %dma_wait3A_324 = arith.constant 0 : i32
    %dma_wait3A_325 = tpu.memref_slice %arg30[%dma_wait3A_319, %dma_wait3A_324] : memref<26x512xi32, #tpu.memory_space<vmem>> -> memref<1x512xi32, #tpu.memory_space<vmem>>
    %dma_wait3A_326 = tpu.memref_squeeze %dma_wait3A_325 : memref<1x512xi32, #tpu.memory_space<vmem>> -> memref<512xi32, #tpu.memory_space<vmem>>
    %dma_wait3A_327 = arith.constant 0 : i32
    %dma_wait3A_328 = tpu.memref_slice %arg8[%dma_wait3A_327] : memref<1000000xf32, #tpu.memory_space<hbm>> -> memref<1000000xf32, #tpu.memory_space<hbm>>
    tpu.wait_indirect_dma semaphore(%arg33 : memref<!tpu.dma_semaphore, #tpu.memory_space<semaphore_mem>>) src(%dma_wait3A_328 : memref<1000000xf32, #tpu.memory_space<hbm>>) dst(%dma_wait3A_323 : memref<512xf32, #tpu.memory_space<vmem>>)
    %dma_wait3A_329 = arith.constant 7 : i32
    %dma_wait3A_330 = arith.constant 7 : i32
    %dma_wait3A_331 = arith.constant 0 : i32
    %dma_wait3A_332 = tpu.memref_slice %arg31[%dma_wait3A_330, %dma_wait3A_331] : memref<26x512xf32, #tpu.memory_space<vmem>> -> memref<1x512xf32, #tpu.memory_space<vmem>>
    %dma_wait3A_333 = tpu.memref_squeeze %dma_wait3A_332 : memref<1x512xf32, #tpu.memory_space<vmem>> -> memref<512xf32, #tpu.memory_space<vmem>>
    %dma_wait3A_334 = arith.constant 0 : i32
    %dma_wait3A_335 = tpu.memref_slice %arg30[%dma_wait3A_329, %dma_wait3A_334] : memref<26x512xi32, #tpu.memory_space<vmem>> -> memref<1x512xi32, #tpu.memory_space<vmem>>
    %dma_wait3A_336 = tpu.memref_squeeze %dma_wait3A_335 : memref<1x512xi32, #tpu.memory_space<vmem>> -> memref<512xi32, #tpu.memory_space<vmem>>
    %dma_wait3A_337 = arith.constant 0 : i32
    %dma_wait3A_338 = tpu.memref_slice %arg9[%dma_wait3A_337] : memref<1000000xf32, #tpu.memory_space<hbm>> -> memref<1000000xf32, #tpu.memory_space<hbm>>
    tpu.wait_indirect_dma semaphore(%arg33 : memref<!tpu.dma_semaphore, #tpu.memory_space<semaphore_mem>>) src(%dma_wait3A_338 : memref<1000000xf32, #tpu.memory_space<hbm>>) dst(%dma_wait3A_333 : memref<512xf32, #tpu.memory_space<vmem>>)
    %dma_wait3A_339 = arith.constant 8 : i32
    %dma_wait3A_340 = arith.constant 8 : i32
    %dma_wait3A_341 = arith.constant 0 : i32
    %dma_wait3A_342 = tpu.memref_slice %arg31[%dma_wait3A_340, %dma_wait3A_341] : memref<26x512xf32, #tpu.memory_space<vmem>> -> memref<1x512xf32, #tpu.memory_space<vmem>>
    %dma_wait3A_343 = tpu.memref_squeeze %dma_wait3A_342 : memref<1x512xf32, #tpu.memory_space<vmem>> -> memref<512xf32, #tpu.memory_space<vmem>>
    %dma_wait3A_344 = arith.constant 0 : i32
    %dma_wait3A_345 = tpu.memref_slice %arg30[%dma_wait3A_339, %dma_wait3A_344] : memref<26x512xi32, #tpu.memory_space<vmem>> -> memref<1x512xi32, #tpu.memory_space<vmem>>
    %dma_wait3A_346 = tpu.memref_squeeze %dma_wait3A_345 : memref<1x512xi32, #tpu.memory_space<vmem>> -> memref<512xi32, #tpu.memory_space<vmem>>
    %dma_wait3A_347 = arith.constant 0 : i32
    %dma_wait3A_348 = tpu.memref_slice %arg10[%dma_wait3A_347] : memref<1000000xf32, #tpu.memory_space<hbm>> -> memref<1000000xf32, #tpu.memory_space<hbm>>
    tpu.wait_indirect_dma semaphore(%arg33 : memref<!tpu.dma_semaphore, #tpu.memory_space<semaphore_mem>>) src(%dma_wait3A_348 : memref<1000000xf32, #tpu.memory_space<hbm>>) dst(%dma_wait3A_343 : memref<512xf32, #tpu.memory_space<vmem>>)
    %dma_wait3A_349 = arith.constant 9 : i32
    %dma_wait3A_350 = arith.constant 9 : i32
    %dma_wait3A_351 = arith.constant 0 : i32
    %dma_wait3A_352 = tpu.memref_slice %arg31[%dma_wait3A_350, %dma_wait3A_351] : memref<26x512xf32, #tpu.memory_space<vmem>> -> memref<1x512xf32, #tpu.memory_space<vmem>>
    %dma_wait3A_353 = tpu.memref_squeeze %dma_wait3A_352 : memref<1x512xf32, #tpu.memory_space<vmem>> -> memref<512xf32, #tpu.memory_space<vmem>>
    %dma_wait3A_354 = arith.constant 0 : i32
    %dma_wait3A_355 = tpu.memref_slice %arg30[%dma_wait3A_349, %dma_wait3A_354] : memref<26x512xi32, #tpu.memory_space<vmem>> -> memref<1x512xi32, #tpu.memory_space<vmem>>
    %dma_wait3A_356 = tpu.memref_squeeze %dma_wait3A_355 : memref<1x512xi32, #tpu.memory_space<vmem>> -> memref<512xi32, #tpu.memory_space<vmem>>
    %dma_wait3A_357 = arith.constant 0 : i32
    %dma_wait3A_358 = tpu.memref_slice %arg11[%dma_wait3A_357] : memref<1000000xf32, #tpu.memory_space<hbm>> -> memref<1000000xf32, #tpu.memory_space<hbm>>
    tpu.wait_indirect_dma semaphore(%arg33 : memref<!tpu.dma_semaphore, #tpu.memory_space<semaphore_mem>>) src(%dma_wait3A_358 : memref<1000000xf32, #tpu.memory_space<hbm>>) dst(%dma_wait3A_353 : memref<512xf32, #tpu.memory_space<vmem>>)
    %dma_wait3A_359 = arith.constant 10 : i32
    %dma_wait3A_360 = arith.constant 10 : i32
    %dma_wait3A_361 = arith.constant 0 : i32
    %dma_wait3A_362 = tpu.memref_slice %arg31[%dma_wait3A_360, %dma_wait3A_361] : memref<26x512xf32, #tpu.memory_space<vmem>> -> memref<1x512xf32, #tpu.memory_space<vmem>>
    %dma_wait3A_363 = tpu.memref_squeeze %dma_wait3A_362 : memref<1x512xf32, #tpu.memory_space<vmem>> -> memref<512xf32, #tpu.memory_space<vmem>>
    %dma_wait3A_364 = arith.constant 0 : i32
    %dma_wait3A_365 = tpu.memref_slice %arg30[%dma_wait3A_359, %dma_wait3A_364] : memref<26x512xi32, #tpu.memory_space<vmem>> -> memref<1x512xi32, #tpu.memory_space<vmem>>
    %dma_wait3A_366 = tpu.memref_squeeze %dma_wait3A_365 : memref<1x512xi32, #tpu.memory_space<vmem>> -> memref<512xi32, #tpu.memory_space<vmem>>
    %dma_wait3A_367 = arith.constant 0 : i32
    %dma_wait3A_368 = tpu.memref_slice %arg12[%dma_wait3A_367] : memref<1000000xf32, #tpu.memory_space<hbm>> -> memref<1000000xf32, #tpu.memory_space<hbm>>
    tpu.wait_indirect_dma semaphore(%arg33 : memref<!tpu.dma_semaphore, #tpu.memory_space<semaphore_mem>>) src(%dma_wait3A_368 : memref<1000000xf32, #tpu.memory_space<hbm>>) dst(%dma_wait3A_363 : memref<512xf32, #tpu.memory_space<vmem>>)
    %dma_wait3A_369 = arith.constant 11 : i32
    %dma_wait3A_370 = arith.constant 11 : i32
    %dma_wait3A_371 = arith.constant 0 : i32
    %dma_wait3A_372 = tpu.memref_slice %arg31[%dma_wait3A_370, %dma_wait3A_371] : memref<26x512xf32, #tpu.memory_space<vmem>> -> memref<1x512xf32, #tpu.memory_space<vmem>>
    %dma_wait3A_373 = tpu.memref_squeeze %dma_wait3A_372 : memref<1x512xf32, #tpu.memory_space<vmem>> -> memref<512xf32, #tpu.memory_space<vmem>>
    %dma_wait3A_374 = arith.constant 0 : i32
    %dma_wait3A_375 = tpu.memref_slice %arg30[%dma_wait3A_369, %dma_wait3A_374] : memref<26x512xi32, #tpu.memory_space<vmem>> -> memref<1x512xi32, #tpu.memory_space<vmem>>
    %dma_wait3A_376 = tpu.memref_squeeze %dma_wait3A_375 : memref<1x512xi32, #tpu.memory_space<vmem>> -> memref<512xi32, #tpu.memory_space<vmem>>
    %dma_wait3A_377 = arith.constant 0 : i32
    %dma_wait3A_378 = tpu.memref_slice %arg13[%dma_wait3A_377] : memref<1000000xf32, #tpu.memory_space<hbm>> -> memref<1000000xf32, #tpu.memory_space<hbm>>
    tpu.wait_indirect_dma semaphore(%arg33 : memref<!tpu.dma_semaphore, #tpu.memory_space<semaphore_mem>>) src(%dma_wait3A_378 : memref<1000000xf32, #tpu.memory_space<hbm>>) dst(%dma_wait3A_373 : memref<512xf32, #tpu.memory_space<vmem>>)
    %dma_wait3A_379 = arith.constant 12 : i32
    %dma_wait3A_380 = arith.constant 12 : i32
    %dma_wait3A_381 = arith.constant 0 : i32
    %dma_wait3A_382 = tpu.memref_slice %arg31[%dma_wait3A_380, %dma_wait3A_381] : memref<26x512xf32, #tpu.memory_space<vmem>> -> memref<1x512xf32, #tpu.memory_space<vmem>>
    %dma_wait3A_383 = tpu.memref_squeeze %dma_wait3A_382 : memref<1x512xf32, #tpu.memory_space<vmem>> -> memref<512xf32, #tpu.memory_space<vmem>>
    %dma_wait3A_384 = arith.constant 0 : i32
    %dma_wait3A_385 = tpu.memref_slice %arg30[%dma_wait3A_379, %dma_wait3A_384] : memref<26x512xi32, #tpu.memory_space<vmem>> -> memref<1x512xi32, #tpu.memory_space<vmem>>
    %dma_wait3A_386 = tpu.memref_squeeze %dma_wait3A_385 : memref<1x512xi32, #tpu.memory_space<vmem>> -> memref<512xi32, #tpu.memory_space<vmem>>
    %dma_wait3A_387 = arith.constant 0 : i32
    %dma_wait3A_388 = tpu.memref_slice %arg14[%dma_wait3A_387] : memref<1000000xf32, #tpu.memory_space<hbm>> -> memref<1000000xf32, #tpu.memory_space<hbm>>
    tpu.wait_indirect_dma semaphore(%arg33 : memref<!tpu.dma_semaphore, #tpu.memory_space<semaphore_mem>>) src(%dma_wait3A_388 : memref<1000000xf32, #tpu.memory_space<hbm>>) dst(%dma_wait3A_383 : memref<512xf32, #tpu.memory_space<vmem>>)
    %dma_wait3A_389 = arith.constant 13 : i32
    %dma_wait3A_390 = arith.constant 13 : i32
    %dma_wait3A_391 = arith.constant 0 : i32
    %dma_wait3A_392 = tpu.memref_slice %arg31[%dma_wait3A_390, %dma_wait3A_391] : memref<26x512xf32, #tpu.memory_space<vmem>> -> memref<1x512xf32, #tpu.memory_space<vmem>>
    %dma_wait3A_393 = tpu.memref_squeeze %dma_wait3A_392 : memref<1x512xf32, #tpu.memory_space<vmem>> -> memref<512xf32, #tpu.memory_space<vmem>>
    %dma_wait3A_394 = arith.constant 0 : i32
    %dma_wait3A_395 = tpu.memref_slice %arg30[%dma_wait3A_389, %dma_wait3A_394] : memref<26x512xi32, #tpu.memory_space<vmem>> -> memref<1x512xi32, #tpu.memory_space<vmem>>
    %dma_wait3A_396 = tpu.memref_squeeze %dma_wait3A_395 : memref<1x512xi32, #tpu.memory_space<vmem>> -> memref<512xi32, #tpu.memory_space<vmem>>
    %dma_wait3A_397 = arith.constant 0 : i32
    %dma_wait3A_398 = tpu.memref_slice %arg15[%dma_wait3A_397] : memref<1000000xf32, #tpu.memory_space<hbm>> -> memref<1000000xf32, #tpu.memory_space<hbm>>
    tpu.wait_indirect_dma semaphore(%arg33 : memref<!tpu.dma_semaphore, #tpu.memory_space<semaphore_mem>>) src(%dma_wait3A_398 : memref<1000000xf32, #tpu.memory_space<hbm>>) dst(%dma_wait3A_393 : memref<512xf32, #tpu.memory_space<vmem>>)
    %dma_wait3A_399 = arith.constant 14 : i32
    %dma_wait3A_400 = arith.constant 14 : i32
    %dma_wait3A_401 = arith.constant 0 : i32
    %dma_wait3A_402 = tpu.memref_slice %arg31[%dma_wait3A_400, %dma_wait3A_401] : memref<26x512xf32, #tpu.memory_space<vmem>> -> memref<1x512xf32, #tpu.memory_space<vmem>>
    %dma_wait3A_403 = tpu.memref_squeeze %dma_wait3A_402 : memref<1x512xf32, #tpu.memory_space<vmem>> -> memref<512xf32, #tpu.memory_space<vmem>>
    %dma_wait3A_404 = arith.constant 0 : i32
    %dma_wait3A_405 = tpu.memref_slice %arg30[%dma_wait3A_399, %dma_wait3A_404] : memref<26x512xi32, #tpu.memory_space<vmem>> -> memref<1x512xi32, #tpu.memory_space<vmem>>
    %dma_wait3A_406 = tpu.memref_squeeze %dma_wait3A_405 : memref<1x512xi32, #tpu.memory_space<vmem>> -> memref<512xi32, #tpu.memory_space<vmem>>
    %dma_wait3A_407 = arith.constant 0 : i32
    %dma_wait3A_408 = tpu.memref_slice %arg16[%dma_wait3A_407] : memref<1000000xf32, #tpu.memory_space<hbm>> -> memref<1000000xf32, #tpu.memory_space<hbm>>
    tpu.wait_indirect_dma semaphore(%arg33 : memref<!tpu.dma_semaphore, #tpu.memory_space<semaphore_mem>>) src(%dma_wait3A_408 : memref<1000000xf32, #tpu.memory_space<hbm>>) dst(%dma_wait3A_403 : memref<512xf32, #tpu.memory_space<vmem>>)
    %dma_wait3A_409 = arith.constant 15 : i32
    %dma_wait3A_410 = arith.constant 15 : i32
    %dma_wait3A_411 = arith.constant 0 : i32
    %dma_wait3A_412 = tpu.memref_slice %arg31[%dma_wait3A_410, %dma_wait3A_411] : memref<26x512xf32, #tpu.memory_space<vmem>> -> memref<1x512xf32, #tpu.memory_space<vmem>>
    %dma_wait3A_413 = tpu.memref_squeeze %dma_wait3A_412 : memref<1x512xf32, #tpu.memory_space<vmem>> -> memref<512xf32, #tpu.memory_space<vmem>>
    %dma_wait3A_414 = arith.constant 0 : i32
    %dma_wait3A_415 = tpu.memref_slice %arg30[%dma_wait3A_409, %dma_wait3A_414] : memref<26x512xi32, #tpu.memory_space<vmem>> -> memref<1x512xi32, #tpu.memory_space<vmem>>
    %dma_wait3A_416 = tpu.memref_squeeze %dma_wait3A_415 : memref<1x512xi32, #tpu.memory_space<vmem>> -> memref<512xi32, #tpu.memory_space<vmem>>
    %dma_wait3A_417 = arith.constant 0 : i32
    %dma_wait3A_418 = tpu.memref_slice %arg17[%dma_wait3A_417] : memref<1000000xf32, #tpu.memory_space<hbm>> -> memref<1000000xf32, #tpu.memory_space<hbm>>
    tpu.wait_indirect_dma semaphore(%arg33 : memref<!tpu.dma_semaphore, #tpu.memory_space<semaphore_mem>>) src(%dma_wait3A_418 : memref<1000000xf32, #tpu.memory_space<hbm>>) dst(%dma_wait3A_413 : memref<512xf32, #tpu.memory_space<vmem>>)
    %dma_wait3A_419 = arith.constant 16 : i32
    %dma_wait3A_420 = arith.constant 16 : i32
    %dma_wait3A_421 = arith.constant 0 : i32
    %dma_wait3A_422 = tpu.memref_slice %arg31[%dma_wait3A_420, %dma_wait3A_421] : memref<26x512xf32, #tpu.memory_space<vmem>> -> memref<1x512xf32, #tpu.memory_space<vmem>>
    %dma_wait3A_423 = tpu.memref_squeeze %dma_wait3A_422 : memref<1x512xf32, #tpu.memory_space<vmem>> -> memref<512xf32, #tpu.memory_space<vmem>>
    %dma_wait3A_424 = arith.constant 0 : i32
    %dma_wait3A_425 = tpu.memref_slice %arg30[%dma_wait3A_419, %dma_wait3A_424] : memref<26x512xi32, #tpu.memory_space<vmem>> -> memref<1x512xi32, #tpu.memory_space<vmem>>
    %dma_wait3A_426 = tpu.memref_squeeze %dma_wait3A_425 : memref<1x512xi32, #tpu.memory_space<vmem>> -> memref<512xi32, #tpu.memory_space<vmem>>
    %dma_wait3A_427 = arith.constant 0 : i32
    %dma_wait3A_428 = tpu.memref_slice %arg18[%dma_wait3A_427] : memref<1000000xf32, #tpu.memory_space<hbm>> -> memref<1000000xf32, #tpu.memory_space<hbm>>
    tpu.wait_indirect_dma semaphore(%arg33 : memref<!tpu.dma_semaphore, #tpu.memory_space<semaphore_mem>>) src(%dma_wait3A_428 : memref<1000000xf32, #tpu.memory_space<hbm>>) dst(%dma_wait3A_423 : memref<512xf32, #tpu.memory_space<vmem>>)
    %dma_wait3A_429 = arith.constant 17 : i32
    %dma_wait3A_430 = arith.constant 17 : i32
    %dma_wait3A_431 = arith.constant 0 : i32
    %dma_wait3A_432 = tpu.memref_slice %arg31[%dma_wait3A_430, %dma_wait3A_431] : memref<26x512xf32, #tpu.memory_space<vmem>> -> memref<1x512xf32, #tpu.memory_space<vmem>>
    %dma_wait3A_433 = tpu.memref_squeeze %dma_wait3A_432 : memref<1x512xf32, #tpu.memory_space<vmem>> -> memref<512xf32, #tpu.memory_space<vmem>>
    %dma_wait3A_434 = arith.constant 0 : i32
    %dma_wait3A_435 = tpu.memref_slice %arg30[%dma_wait3A_429, %dma_wait3A_434] : memref<26x512xi32, #tpu.memory_space<vmem>> -> memref<1x512xi32, #tpu.memory_space<vmem>>
    %dma_wait3A_436 = tpu.memref_squeeze %dma_wait3A_435 : memref<1x512xi32, #tpu.memory_space<vmem>> -> memref<512xi32, #tpu.memory_space<vmem>>
    %dma_wait3A_437 = arith.constant 0 : i32
    %dma_wait3A_438 = tpu.memref_slice %arg19[%dma_wait3A_437] : memref<1000000xf32, #tpu.memory_space<hbm>> -> memref<1000000xf32, #tpu.memory_space<hbm>>
    tpu.wait_indirect_dma semaphore(%arg33 : memref<!tpu.dma_semaphore, #tpu.memory_space<semaphore_mem>>) src(%dma_wait3A_438 : memref<1000000xf32, #tpu.memory_space<hbm>>) dst(%dma_wait3A_433 : memref<512xf32, #tpu.memory_space<vmem>>)
    %dma_wait3A_439 = arith.constant 18 : i32
    %dma_wait3A_440 = arith.constant 18 : i32
    %dma_wait3A_441 = arith.constant 0 : i32
    %dma_wait3A_442 = tpu.memref_slice %arg31[%dma_wait3A_440, %dma_wait3A_441] : memref<26x512xf32, #tpu.memory_space<vmem>> -> memref<1x512xf32, #tpu.memory_space<vmem>>
    %dma_wait3A_443 = tpu.memref_squeeze %dma_wait3A_442 : memref<1x512xf32, #tpu.memory_space<vmem>> -> memref<512xf32, #tpu.memory_space<vmem>>
    %dma_wait3A_444 = arith.constant 0 : i32
    %dma_wait3A_445 = tpu.memref_slice %arg30[%dma_wait3A_439, %dma_wait3A_444] : memref<26x512xi32, #tpu.memory_space<vmem>> -> memref<1x512xi32, #tpu.memory_space<vmem>>
    %dma_wait3A_446 = tpu.memref_squeeze %dma_wait3A_445 : memref<1x512xi32, #tpu.memory_space<vmem>> -> memref<512xi32, #tpu.memory_space<vmem>>
    %dma_wait3A_447 = arith.constant 0 : i32
    %dma_wait3A_448 = tpu.memref_slice %arg20[%dma_wait3A_447] : memref<1000000xf32, #tpu.memory_space<hbm>> -> memref<1000000xf32, #tpu.memory_space<hbm>>
    tpu.wait_indirect_dma semaphore(%arg33 : memref<!tpu.dma_semaphore, #tpu.memory_space<semaphore_mem>>) src(%dma_wait3A_448 : memref<1000000xf32, #tpu.memory_space<hbm>>) dst(%dma_wait3A_443 : memref<512xf32, #tpu.memory_space<vmem>>)
    %dma_wait3A_449 = arith.constant 19 : i32
    %dma_wait3A_450 = arith.constant 19 : i32
    %dma_wait3A_451 = arith.constant 0 : i32
    %dma_wait3A_452 = tpu.memref_slice %arg31[%dma_wait3A_450, %dma_wait3A_451] : memref<26x512xf32, #tpu.memory_space<vmem>> -> memref<1x512xf32, #tpu.memory_space<vmem>>
    %dma_wait3A_453 = tpu.memref_squeeze %dma_wait3A_452 : memref<1x512xf32, #tpu.memory_space<vmem>> -> memref<512xf32, #tpu.memory_space<vmem>>
    %dma_wait3A_454 = arith.constant 0 : i32
    %dma_wait3A_455 = tpu.memref_slice %arg30[%dma_wait3A_449, %dma_wait3A_454] : memref<26x512xi32, #tpu.memory_space<vmem>> -> memref<1x512xi32, #tpu.memory_space<vmem>>
    %dma_wait3A_456 = tpu.memref_squeeze %dma_wait3A_455 : memref<1x512xi32, #tpu.memory_space<vmem>> -> memref<512xi32, #tpu.memory_space<vmem>>
    %dma_wait3A_457 = arith.constant 0 : i32
    %dma_wait3A_458 = tpu.memref_slice %arg21[%dma_wait3A_457] : memref<1000000xf32, #tpu.memory_space<hbm>> -> memref<1000000xf32, #tpu.memory_space<hbm>>
    tpu.wait_indirect_dma semaphore(%arg33 : memref<!tpu.dma_semaphore, #tpu.memory_space<semaphore_mem>>) src(%dma_wait3A_458 : memref<1000000xf32, #tpu.memory_space<hbm>>) dst(%dma_wait3A_453 : memref<512xf32, #tpu.memory_space<vmem>>)
    %dma_wait3A_459 = arith.constant 20 : i32
    %dma_wait3A_460 = arith.constant 20 : i32
    %dma_wait3A_461 = arith.constant 0 : i32
    %dma_wait3A_462 = tpu.memref_slice %arg31[%dma_wait3A_460, %dma_wait3A_461] : memref<26x512xf32, #tpu.memory_space<vmem>> -> memref<1x512xf32, #tpu.memory_space<vmem>>
    %dma_wait3A_463 = tpu.memref_squeeze %dma_wait3A_462 : memref<1x512xf32, #tpu.memory_space<vmem>> -> memref<512xf32, #tpu.memory_space<vmem>>
    %dma_wait3A_464 = arith.constant 0 : i32
    %dma_wait3A_465 = tpu.memref_slice %arg30[%dma_wait3A_459, %dma_wait3A_464] : memref<26x512xi32, #tpu.memory_space<vmem>> -> memref<1x512xi32, #tpu.memory_space<vmem>>
    %dma_wait3A_466 = tpu.memref_squeeze %dma_wait3A_465 : memref<1x512xi32, #tpu.memory_space<vmem>> -> memref<512xi32, #tpu.memory_space<vmem>>
    %dma_wait3A_467 = arith.constant 0 : i32
    %dma_wait3A_468 = tpu.memref_slice %arg22[%dma_wait3A_467] : memref<1000000xf32, #tpu.memory_space<hbm>> -> memref<1000000xf32, #tpu.memory_space<hbm>>
    tpu.wait_indirect_dma semaphore(%arg33 : memref<!tpu.dma_semaphore, #tpu.memory_space<semaphore_mem>>) src(%dma_wait3A_468 : memref<1000000xf32, #tpu.memory_space<hbm>>) dst(%dma_wait3A_463 : memref<512xf32, #tpu.memory_space<vmem>>)
    %dma_wait3A_469 = arith.constant 21 : i32
    %dma_wait3A_470 = arith.constant 21 : i32
    %dma_wait3A_471 = arith.constant 0 : i32
    %dma_wait3A_472 = tpu.memref_slice %arg31[%dma_wait3A_470, %dma_wait3A_471] : memref<26x512xf32, #tpu.memory_space<vmem>> -> memref<1x512xf32, #tpu.memory_space<vmem>>
    %dma_wait3A_473 = tpu.memref_squeeze %dma_wait3A_472 : memref<1x512xf32, #tpu.memory_space<vmem>> -> memref<512xf32, #tpu.memory_space<vmem>>
    %dma_wait3A_474 = arith.constant 0 : i32
    %dma_wait3A_475 = tpu.memref_slice %arg30[%dma_wait3A_469, %dma_wait3A_474] : memref<26x512xi32, #tpu.memory_space<vmem>> -> memref<1x512xi32, #tpu.memory_space<vmem>>
    %dma_wait3A_476 = tpu.memref_squeeze %dma_wait3A_475 : memref<1x512xi32, #tpu.memory_space<vmem>> -> memref<512xi32, #tpu.memory_space<vmem>>
    %dma_wait3A_477 = arith.constant 0 : i32
    %dma_wait3A_478 = tpu.memref_slice %arg23[%dma_wait3A_477] : memref<1000000xf32, #tpu.memory_space<hbm>> -> memref<1000000xf32, #tpu.memory_space<hbm>>
    tpu.wait_indirect_dma semaphore(%arg33 : memref<!tpu.dma_semaphore, #tpu.memory_space<semaphore_mem>>) src(%dma_wait3A_478 : memref<1000000xf32, #tpu.memory_space<hbm>>) dst(%dma_wait3A_473 : memref<512xf32, #tpu.memory_space<vmem>>)
    %dma_wait3A_479 = arith.constant 22 : i32
    %dma_wait3A_480 = arith.constant 22 : i32
    %dma_wait3A_481 = arith.constant 0 : i32
    %dma_wait3A_482 = tpu.memref_slice %arg31[%dma_wait3A_480, %dma_wait3A_481] : memref<26x512xf32, #tpu.memory_space<vmem>> -> memref<1x512xf32, #tpu.memory_space<vmem>>
    %dma_wait3A_483 = tpu.memref_squeeze %dma_wait3A_482 : memref<1x512xf32, #tpu.memory_space<vmem>> -> memref<512xf32, #tpu.memory_space<vmem>>
    %dma_wait3A_484 = arith.constant 0 : i32
    %dma_wait3A_485 = tpu.memref_slice %arg30[%dma_wait3A_479, %dma_wait3A_484] : memref<26x512xi32, #tpu.memory_space<vmem>> -> memref<1x512xi32, #tpu.memory_space<vmem>>
    %dma_wait3A_486 = tpu.memref_squeeze %dma_wait3A_485 : memref<1x512xi32, #tpu.memory_space<vmem>> -> memref<512xi32, #tpu.memory_space<vmem>>
    %dma_wait3A_487 = arith.constant 0 : i32
    %dma_wait3A_488 = tpu.memref_slice %arg24[%dma_wait3A_487] : memref<1000000xf32, #tpu.memory_space<hbm>> -> memref<1000000xf32, #tpu.memory_space<hbm>>
    tpu.wait_indirect_dma semaphore(%arg33 : memref<!tpu.dma_semaphore, #tpu.memory_space<semaphore_mem>>) src(%dma_wait3A_488 : memref<1000000xf32, #tpu.memory_space<hbm>>) dst(%dma_wait3A_483 : memref<512xf32, #tpu.memory_space<vmem>>)
    %dma_wait3A_489 = arith.constant 23 : i32
    %dma_wait3A_490 = arith.constant 23 : i32
    %dma_wait3A_491 = arith.constant 0 : i32
    %dma_wait3A_492 = tpu.memref_slice %arg31[%dma_wait3A_490, %dma_wait3A_491] : memref<26x512xf32, #tpu.memory_space<vmem>> -> memref<1x512xf32, #tpu.memory_space<vmem>>
    %dma_wait3A_493 = tpu.memref_squeeze %dma_wait3A_492 : memref<1x512xf32, #tpu.memory_space<vmem>> -> memref<512xf32, #tpu.memory_space<vmem>>
    %dma_wait3A_494 = arith.constant 0 : i32
    %dma_wait3A_495 = tpu.memref_slice %arg30[%dma_wait3A_489, %dma_wait3A_494] : memref<26x512xi32, #tpu.memory_space<vmem>> -> memref<1x512xi32, #tpu.memory_space<vmem>>
    %dma_wait3A_496 = tpu.memref_squeeze %dma_wait3A_495 : memref<1x512xi32, #tpu.memory_space<vmem>> -> memref<512xi32, #tpu.memory_space<vmem>>
    %dma_wait3A_497 = arith.constant 0 : i32
    %dma_wait3A_498 = tpu.memref_slice %arg25[%dma_wait3A_497] : memref<1000000xf32, #tpu.memory_space<hbm>> -> memref<1000000xf32, #tpu.memory_space<hbm>>
    tpu.wait_indirect_dma semaphore(%arg33 : memref<!tpu.dma_semaphore, #tpu.memory_space<semaphore_mem>>) src(%dma_wait3A_498 : memref<1000000xf32, #tpu.memory_space<hbm>>) dst(%dma_wait3A_493 : memref<512xf32, #tpu.memory_space<vmem>>)
    %dma_wait3A_499 = arith.constant 24 : i32
    %dma_wait3A_500 = arith.constant 24 : i32
    %dma_wait3A_501 = arith.constant 0 : i32
    %dma_wait3A_502 = tpu.memref_slice %arg31[%dma_wait3A_500, %dma_wait3A_501] : memref<26x512xf32, #tpu.memory_space<vmem>> -> memref<1x512xf32, #tpu.memory_space<vmem>>
    %dma_wait3A_503 = tpu.memref_squeeze %dma_wait3A_502 : memref<1x512xf32, #tpu.memory_space<vmem>> -> memref<512xf32, #tpu.memory_space<vmem>>
    %dma_wait3A_504 = arith.constant 0 : i32
    %dma_wait3A_505 = tpu.memref_slice %arg30[%dma_wait3A_499, %dma_wait3A_504] : memref<26x512xi32, #tpu.memory_space<vmem>> -> memref<1x512xi32, #tpu.memory_space<vmem>>
    %dma_wait3A_506 = tpu.memref_squeeze %dma_wait3A_505 : memref<1x512xi32, #tpu.memory_space<vmem>> -> memref<512xi32, #tpu.memory_space<vmem>>
    %dma_wait3A_507 = arith.constant 0 : i32
    %dma_wait3A_508 = tpu.memref_slice %arg26[%dma_wait3A_507] : memref<1000000xf32, #tpu.memory_space<hbm>> -> memref<1000000xf32, #tpu.memory_space<hbm>>
    tpu.wait_indirect_dma semaphore(%arg33 : memref<!tpu.dma_semaphore, #tpu.memory_space<semaphore_mem>>) src(%dma_wait3A_508 : memref<1000000xf32, #tpu.memory_space<hbm>>) dst(%dma_wait3A_503 : memref<512xf32, #tpu.memory_space<vmem>>)
    %dma_wait3A_509 = arith.constant 25 : i32
    %dma_wait3A_510 = arith.constant 25 : i32
    %dma_wait3A_511 = arith.constant 0 : i32
    %dma_wait3A_512 = tpu.memref_slice %arg31[%dma_wait3A_510, %dma_wait3A_511] : memref<26x512xf32, #tpu.memory_space<vmem>> -> memref<1x512xf32, #tpu.memory_space<vmem>>
    %dma_wait3A_513 = tpu.memref_squeeze %dma_wait3A_512 : memref<1x512xf32, #tpu.memory_space<vmem>> -> memref<512xf32, #tpu.memory_space<vmem>>
    %dma_wait3A_514 = arith.constant 0 : i32
    %dma_wait3A_515 = tpu.memref_slice %arg30[%dma_wait3A_509, %dma_wait3A_514] : memref<26x512xi32, #tpu.memory_space<vmem>> -> memref<1x512xi32, #tpu.memory_space<vmem>>
    %dma_wait3A_516 = tpu.memref_squeeze %dma_wait3A_515 : memref<1x512xi32, #tpu.memory_space<vmem>> -> memref<512xi32, #tpu.memory_space<vmem>>
    %dma_wait3A_517 = arith.constant 0 : i32
    %dma_wait3A_518 = tpu.memref_slice %arg27[%dma_wait3A_517] : memref<1000000xf32, #tpu.memory_space<hbm>> -> memref<1000000xf32, #tpu.memory_space<hbm>>
    tpu.wait_indirect_dma semaphore(%arg33 : memref<!tpu.dma_semaphore, #tpu.memory_space<semaphore_mem>>) src(%dma_wait3A_518 : memref<1000000xf32, #tpu.memory_space<hbm>>) dst(%dma_wait3A_513 : memref<512xf32, #tpu.memory_space<vmem>>)
    %scan3A = arith.constant 0 : i32
    %scan3A_519 = arith.constant 0 : i32
    %scan3A_520 = arith.constant 32 : i32
    %scan3A_521 = arith.addi %scan3A_519, %scan3A_520 : i32
    %scan3A_522 = arith.constant 1 : i32
    scf.for %scan3A_526 = %scan3A_519 to %scan3A_521 step %scan3A_522  : i32 {
      %mul3A_527 = arith.constant 16 : i32
      %mul3A_528 = arith.muli %scan3A_526, %mul3A_527 : i32
      %get3A = arith.constant 0 : i32
      %get3A_529 = arith.index_cast %get3A : i32 to index
      %get3A_530 = arith.index_cast %mul3A_528 : i32 to index
      %get3A_531 = tpu.vector_load %arg31[%get3A_529, %get3A_530] {strides = array<i32>} : memref<26x512xf32, #tpu.memory_space<vmem>>, vector<16xf32>,
      %mul3A_532 = arith.constant 16 : i32
      %mul3A_533 = arith.muli %scan3A_526, %mul3A_532 : i32
      %get3A_534 = arith.constant 1 : i32
      %get3A_535 = arith.index_cast %get3A_534 : i32 to index
      %get3A_536 = arith.index_cast %mul3A_533 : i32 to index
      %get3A_537 = tpu.vector_load %arg31[%get3A_535, %get3A_536] {strides = array<i32>} : memref<26x512xf32, #tpu.memory_space<vmem>>, vector<16xf32>,
      %add3A_538 = arith.addf %get3A_531, %get3A_537 : vector<16xf32>
      %mul3A_539 = arith.constant 16 : i32
      %mul3A_540 = arith.muli %scan3A_526, %mul3A_539 : i32
      %get3A_541 = arith.constant 2 : i32
      %get3A_542 = arith.index_cast %get3A_541 : i32 to index
      %get3A_543 = arith.index_cast %mul3A_540 : i32 to index
      %get3A_544 = tpu.vector_load %arg31[%get3A_542, %get3A_543] {strides = array<i32>} : memref<26x512xf32, #tpu.memory_space<vmem>>, vector<16xf32>,
      %add3A_545 = arith.addf %add3A_538, %get3A_544 : vector<16xf32>
      %mul3A_546 = arith.constant 16 : i32
      %mul3A_547 = arith.muli %scan3A_526, %mul3A_546 : i32
      %get3A_548 = arith.constant 3 : i32
      %get3A_549 = arith.index_cast %get3A_548 : i32 to index
      %get3A_550 = arith.index_cast %mul3A_547 : i32 to index
      %get3A_551 = tpu.vector_load %arg31[%get3A_549, %get3A_550] {strides = array<i32>} : memref<26x512xf32, #tpu.memory_space<vmem>>, vector<16xf32>,
      %add3A_552 = arith.addf %add3A_545, %get3A_551 : vector<16xf32>
      %mul3A_553 = arith.constant 16 : i32
      %mul3A_554 = arith.muli %scan3A_526, %mul3A_553 : i32
      %get3A_555 = arith.constant 4 : i32
      %get3A_556 = arith.index_cast %get3A_555 : i32 to index
      %get3A_557 = arith.index_cast %mul3A_554 : i32 to index
      %get3A_558 = tpu.vector_load %arg31[%get3A_556, %get3A_557] {strides = array<i32>} : memref<26x512xf32, #tpu.memory_space<vmem>>, vector<16xf32>,
      %add3A_559 = arith.addf %add3A_552, %get3A_558 : vector<16xf32>
      %mul3A_560 = arith.constant 16 : i32
      %mul3A_561 = arith.muli %scan3A_526, %mul3A_560 : i32
      %get3A_562 = arith.constant 5 : i32
      %get3A_563 = arith.index_cast %get3A_562 : i32 to index
      %get3A_564 = arith.index_cast %mul3A_561 : i32 to index
      %get3A_565 = tpu.vector_load %arg31[%get3A_563, %get3A_564] {strides = array<i32>} : memref<26x512xf32, #tpu.memory_space<vmem>>, vector<16xf32>,
      %add3A_566 = arith.addf %add3A_559, %get3A_565 : vector<16xf32>
      %mul3A_567 = arith.constant 16 : i32
      %mul3A_568 = arith.muli %scan3A_526, %mul3A_567 : i32
      %get3A_569 = arith.constant 6 : i32
      %get3A_570 = arith.index_cast %get3A_569 : i32 to index
      %get3A_571 = arith.index_cast %mul3A_568 : i32 to index
      %get3A_572 = tpu.vector_load %arg31[%get3A_570, %get3A_571] {strides = array<i32>} : memref<26x512xf32, #tpu.memory_space<vmem>>, vector<16xf32>,
      %add3A_573 = arith.addf %add3A_566, %get3A_572 : vector<16xf32>
      %mul3A_574 = arith.constant 16 : i32
      %mul3A_575 = arith.muli %scan3A_526, %mul3A_574 : i32
      %get3A_576 = arith.constant 7 : i32
      %get3A_577 = arith.index_cast %get3A_576 : i32 to index
      %get3A_578 = arith.index_cast %mul3A_575 : i32 to index
      %get3A_579 = tpu.vector_load %arg31[%get3A_577, %get3A_578] {strides = array<i32>} : memref<26x512xf32, #tpu.memory_space<vmem>>, vector<16xf32>,
      %add3A_580 = arith.addf %add3A_573, %get3A_579 : vector<16xf32>
      %mul3A_581 = arith.constant 16 : i32
      %mul3A_582 = arith.muli %scan3A_526, %mul3A_581 : i32
      %get3A_583 = arith.constant 8 : i32
      %get3A_584 = arith.index_cast %get3A_583 : i32 to index
      %get3A_585 = arith.index_cast %mul3A_582 : i32 to index
      %get3A_586 = tpu.vector_load %arg31[%get3A_584, %get3A_585] {strides = array<i32>} : memref<26x512xf32, #tpu.memory_space<vmem>>, vector<16xf32>,
      %add3A_587 = arith.addf %add3A_580, %get3A_586 : vector<16xf32>
      %mul3A_588 = arith.constant 16 : i32
      %mul3A_589 = arith.muli %scan3A_526, %mul3A_588 : i32
      %get3A_590 = arith.constant 9 : i32
      %get3A_591 = arith.index_cast %get3A_590 : i32 to index
      %get3A_592 = arith.index_cast %mul3A_589 : i32 to index
      %get3A_593 = tpu.vector_load %arg31[%get3A_591, %get3A_592] {strides = array<i32>} : memref<26x512xf32, #tpu.memory_space<vmem>>, vector<16xf32>,
      %add3A_594 = arith.addf %add3A_587, %get3A_593 : vector<16xf32>
      %mul3A_595 = arith.constant 16 : i32
      %mul3A_596 = arith.muli %scan3A_526, %mul3A_595 : i32
      %get3A_597 = arith.constant 10 : i32
      %get3A_598 = arith.index_cast %get3A_597 : i32 to index
      %get3A_599 = arith.index_cast %mul3A_596 : i32 to index
      %get3A_600 = tpu.vector_load %arg31[%get3A_598, %get3A_599] {strides = array<i32>} : memref<26x512xf32, #tpu.memory_space<vmem>>, vector<16xf32>,
      %add3A_601 = arith.addf %add3A_594, %get3A_600 : vector<16xf32>
      %mul3A_602 = arith.constant 16 : i32
      %mul3A_603 = arith.muli %scan3A_526, %mul3A_602 : i32
      %get3A_604 = arith.constant 11 : i32
      %get3A_605 = arith.index_cast %get3A_604 : i32 to index
      %get3A_606 = arith.index_cast %mul3A_603 : i32 to index
      %get3A_607 = tpu.vector_load %arg31[%get3A_605, %get3A_606] {strides = array<i32>} : memref<26x512xf32, #tpu.memory_space<vmem>>, vector<16xf32>,
      %add3A_608 = arith.addf %add3A_601, %get3A_607 : vector<16xf32>
      %mul3A_609 = arith.constant 16 : i32
      %mul3A_610 = arith.muli %scan3A_526, %mul3A_609 : i32
      %get3A_611 = arith.constant 12 : i32
      %get3A_612 = arith.index_cast %get3A_611 : i32 to index
      %get3A_613 = arith.index_cast %mul3A_610 : i32 to index
      %get3A_614 = tpu.vector_load %arg31[%get3A_612, %get3A_613] {strides = array<i32>} : memref<26x512xf32, #tpu.memory_space<vmem>>, vector<16xf32>,
      %add3A_615 = arith.addf %add3A_608, %get3A_614 : vector<16xf32>
      %mul3A_616 = arith.constant 16 : i32
      %mul3A_617 = arith.muli %scan3A_526, %mul3A_616 : i32
      %get3A_618 = arith.constant 13 : i32
      %get3A_619 = arith.index_cast %get3A_618 : i32 to index
      %get3A_620 = arith.index_cast %mul3A_617 : i32 to index
      %get3A_621 = tpu.vector_load %arg31[%get3A_619, %get3A_620] {strides = array<i32>} : memref<26x512xf32, #tpu.memory_space<vmem>>, vector<16xf32>,
      %add3A_622 = arith.addf %add3A_615, %get3A_621 : vector<16xf32>
      %mul3A_623 = arith.constant 16 : i32
      %mul3A_624 = arith.muli %scan3A_526, %mul3A_623 : i32
      %get3A_625 = arith.constant 14 : i32
      %get3A_626 = arith.index_cast %get3A_625 : i32 to index
      %get3A_627 = arith.index_cast %mul3A_624 : i32 to index
      %get3A_628 = tpu.vector_load %arg31[%get3A_626, %get3A_627] {strides = array<i32>} : memref<26x512xf32, #tpu.memory_space<vmem>>, vector<16xf32>,
      %add3A_629 = arith.addf %add3A_622, %get3A_628 : vector<16xf32>
      %mul3A_630 = arith.constant 16 : i32
      %mul3A_631 = arith.muli %scan3A_526, %mul3A_630 : i32
      %get3A_632 = arith.constant 15 : i32
      %get3A_633 = arith.index_cast %get3A_632 : i32 to index
      %get3A_634 = arith.index_cast %mul3A_631 : i32 to index
      %get3A_635 = tpu.vector_load %arg31[%get3A_633, %get3A_634] {strides = array<i32>} : memref<26x512xf32, #tpu.memory_space<vmem>>, vector<16xf32>,
      %add3A_636 = arith.addf %add3A_629, %get3A_635 : vector<16xf32>
      %mul3A_637 = arith.constant 16 : i32
      %mul3A_638 = arith.muli %scan3A_526, %mul3A_637 : i32
      %get3A_639 = arith.constant 16 : i32
      %get3A_640 = arith.index_cast %get3A_639 : i32 to index
      %get3A_641 = arith.index_cast %mul3A_638 : i32 to index
      %get3A_642 = tpu.vector_load %arg31[%get3A_640, %get3A_641] {strides = array<i32>} : memref<26x512xf32, #tpu.memory_space<vmem>>, vector<16xf32>,
      %add3A_643 = arith.addf %add3A_636, %get3A_642 : vector<16xf32>
      %mul3A_644 = arith.constant 16 : i32
      %mul3A_645 = arith.muli %scan3A_526, %mul3A_644 : i32
      %get3A_646 = arith.constant 17 : i32
      %get3A_647 = arith.index_cast %get3A_646 : i32 to index
      %get3A_648 = arith.index_cast %mul3A_645 : i32 to index
      %get3A_649 = tpu.vector_load %arg31[%get3A_647, %get3A_648] {strides = array<i32>} : memref<26x512xf32, #tpu.memory_space<vmem>>, vector<16xf32>,
      %add3A_650 = arith.addf %add3A_643, %get3A_649 : vector<16xf32>
      %mul3A_651 = arith.constant 16 : i32
      %mul3A_652 = arith.muli %scan3A_526, %mul3A_651 : i32
      %get3A_653 = arith.constant 18 : i32
      %get3A_654 = arith.index_cast %get3A_653 : i32 to index
      %get3A_655 = arith.index_cast %mul3A_652 : i32 to index
      %get3A_656 = tpu.vector_load %arg31[%get3A_654, %get3A_655] {strides = array<i32>} : memref<26x512xf32, #tpu.memory_space<vmem>>, vector<16xf32>,
      %add3A_657 = arith.addf %add3A_650, %get3A_656 : vector<16xf32>
      %mul3A_658 = arith.constant 16 : i32
      %mul3A_659 = arith.muli %scan3A_526, %mul3A_658 : i32
      %get3A_660 = arith.constant 19 : i32
      %get3A_661 = arith.index_cast %get3A_660 : i32 to index
      %get3A_662 = arith.index_cast %mul3A_659 : i32 to index
      %get3A_663 = tpu.vector_load %arg31[%get3A_661, %get3A_662] {strides = array<i32>} : memref<26x512xf32, #tpu.memory_space<vmem>>, vector<16xf32>,
      %add3A_664 = arith.addf %add3A_657, %get3A_663 : vector<16xf32>
      %mul3A_665 = arith.constant 16 : i32
      %mul3A_666 = arith.muli %scan3A_526, %mul3A_665 : i32
      %get3A_667 = arith.constant 20 : i32
      %get3A_668 = arith.index_cast %get3A_667 : i32 to index
      %get3A_669 = arith.index_cast %mul3A_666 : i32 to index
      %get3A_670 = tpu.vector_load %arg31[%get3A_668, %get3A_669] {strides = array<i32>} : memref<26x512xf32, #tpu.memory_space<vmem>>, vector<16xf32>,
      %add3A_671 = arith.addf %add3A_664, %get3A_670 : vector<16xf32>
      %mul3A_672 = arith.constant 16 : i32
      %mul3A_673 = arith.muli %scan3A_526, %mul3A_672 : i32
      %get3A_674 = arith.constant 21 : i32
      %get3A_675 = arith.index_cast %get3A_674 : i32 to index
      %get3A_676 = arith.index_cast %mul3A_673 : i32 to index
      %get3A_677 = tpu.vector_load %arg31[%get3A_675, %get3A_676] {strides = array<i32>} : memref<26x512xf32, #tpu.memory_space<vmem>>, vector<16xf32>,
      %add3A_678 = arith.addf %add3A_671, %get3A_677 : vector<16xf32>
      %mul3A_679 = arith.constant 16 : i32
      %mul3A_680 = arith.muli %scan3A_526, %mul3A_679 : i32
      %get3A_681 = arith.constant 22 : i32
      %get3A_682 = arith.index_cast %get3A_681 : i32 to index
      %get3A_683 = arith.index_cast %mul3A_680 : i32 to index
      %get3A_684 = tpu.vector_load %arg31[%get3A_682, %get3A_683] {strides = array<i32>} : memref<26x512xf32, #tpu.memory_space<vmem>>, vector<16xf32>,
      %add3A_685 = arith.addf %add3A_678, %get3A_684 : vector<16xf32>
      %mul3A_686 = arith.constant 16 : i32
      %mul3A_687 = arith.muli %scan3A_526, %mul3A_686 : i32
      %get3A_688 = arith.constant 23 : i32
      %get3A_689 = arith.index_cast %get3A_688 : i32 to index
      %get3A_690 = arith.index_cast %mul3A_687 : i32 to index
      %get3A_691 = tpu.vector_load %arg31[%get3A_689, %get3A_690] {strides = array<i32>} : memref<26x512xf32, #tpu.memory_space<vmem>>, vector<16xf32>,
      %add3A_692 = arith.addf %add3A_685, %get3A_691 : vector<16xf32>
      %mul3A_693 = arith.constant 16 : i32
      %mul3A_694 = arith.muli %scan3A_526, %mul3A_693 : i32
      %get3A_695 = arith.constant 24 : i32
      %get3A_696 = arith.index_cast %get3A_695 : i32 to index
      %get3A_697 = arith.index_cast %mul3A_694 : i32 to index
      %get3A_698 = tpu.vector_load %arg31[%get3A_696, %get3A_697] {strides = array<i32>} : memref<26x512xf32, #tpu.memory_space<vmem>>, vector<16xf32>,
      %add3A_699 = arith.addf %add3A_692, %get3A_698 : vector<16xf32>
      %mul3A_700 = arith.constant 16 : i32
      %mul3A_701 = arith.muli %scan3A_526, %mul3A_700 : i32
      %get3A_702 = arith.constant 25 : i32
      %get3A_703 = arith.index_cast %get3A_702 : i32 to index
      %get3A_704 = arith.index_cast %mul3A_701 : i32 to index
      %get3A_705 = tpu.vector_load %arg31[%get3A_703, %get3A_704] {strides = array<i32>} : memref<26x512xf32, #tpu.memory_space<vmem>>, vector<16xf32>,
      %add3A_706 = arith.addf %add3A_699, %get3A_705 : vector<16xf32>
      %neg3A = arith.constant 0.000000e+00 : f32
      %neg3A_707 = vector.broadcast %neg3A : f32 to vector<16xf32>
      %neg3A_708 = arith.subf %neg3A_707, %add3A_706 : vector<16xf32>
      %exp3A = math.exp %neg3A_708 : vector<16xf32>
      %add3A_709 = arith.constant 1.000000e+00 : f32
      %add3A_710 = vector.broadcast %add3A_709 : f32 to vector<16xf32>
      %add3A_711 = arith.addf %add3A_710, %exp3A : vector<16xf32>
      %div3A = arith.constant 1.000000e+00 : f32
      %div3A_712 = vector.broadcast %div3A : f32 to vector<16xf32>
      %div3A_713 = arith.divf %div3A_712, %add3A_711 : vector<16xf32>
      %mul3A_714 = arith.constant 16 : i32
      %mul3A_715 = arith.muli %scan3A_526, %mul3A_714 : i32
      %swap3A = arith.index_cast %mul3A_715 : i32 to index
      %swap3A_716 = tpu.vector_load %arg32[%swap3A] {strides = array<i32>} : memref<512xf32, #tpu.memory_space<vmem>>, vector<16xf32>,
      tpu.vector_store %arg32[%swap3A], %div3A_713 {strides = array<i32>} : memref<512xf32, #tpu.memory_space<vmem>>, vector<16xf32>,
    }
    %scan3A_523 = arith.constant 32 : i32
    %mul3A_524 = arith.constant 512 : i32
    %mul3A_525 = arith.muli %add3A, %mul3A_524 : i32
    "tpu.region"() ({
      %run_scoped3A = tpu.sem_alloc : memref<!tpu.dma_semaphore, #tpu.memory_space<semaphore_mem>>
      %dma_start3A_526 = tpu.memref_slice %arg29[%mul3A_525] : memref<16384xf32, #tpu.memory_space<hbm>> -> memref<512xf32, #tpu.memory_space<hbm>>
      %dma_start3A_527 = tpu.memref_slice %arg29[%mul3A_525] : memref<16384xf32, #tpu.memory_space<hbm>> -> memref<512xf32, #tpu.memory_space<hbm>>
      tpu.enqueue_dma source(%arg32 : memref<512xf32, #tpu.memory_space<vmem>>) target(%dma_start3A_527 : memref<512xf32, #tpu.memory_space<hbm>>) target_semaphore(%run_scoped3A : memref<!tpu.dma_semaphore, #tpu.memory_space<semaphore_mem>>)
      %dma_wait3A_528 = tpu.memref_slice %arg29[%mul3A_525] : memref<16384xf32, #tpu.memory_space<hbm>> -> memref<512xf32, #tpu.memory_space<hbm>>
      %dma_wait3A_529 = tpu.memref_slice %arg29[%mul3A_525] : memref<16384xf32, #tpu.memory_space<hbm>> -> memref<512xf32, #tpu.memory_space<hbm>>
      tpu.wait_dma2 semaphore(%run_scoped3A : memref<!tpu.dma_semaphore, #tpu.memory_space<semaphore_mem>>) src(%arg32 : memref<512xf32, #tpu.memory_space<vmem>>) dst(%dma_wait3A_529 : memref<512xf32, #tpu.memory_space<hbm>>)
      tpu.yield
    }) : () -> ()
    return
  }
}

</mosaic_0001>

<sc_bundles>
// kernel: kernel.3.cloned.1.call-start
scs
__scs_entry_jumppad:
0x0: {  	(pc) =	sbr.rel $0x88, $3  }
0x1: {  	(tag) =	ssettag $0x0;
	lr =	simm.s32 $0x1  }
0x2: {  	[smem:$0x3F9F] =	sst lr;
	_ =	strace $0xD0000000  }
0x3: {  	_ = 	snop  }
0x4: {  	_ = 	snop  }
0x5: {  	_ = 	snop  }
0x6: {  	_ = 	snop  }
0x7: {  	_ = 	snop  }
__scs_overlays_trampoline_lowered:
0x8: {  	[smem:$0x3FAE] =	sst s0  }
0x9: {  	[smem:$0x3FAF] =	sst s1  }
0xa: {  	[smem:$0x3FB0] =	sst s2  }
0xb: {  	[smem:$0x3FB1] =	sst s3  }
0xc: {  	[smem:$0x3FB2] =	sst s4  }
0xd: {  	[smem:$0x3FB3] =	sst s5  }
0xe: {  	[smem:$0x3FB4] =	sst s6  }
0xf: {  	[smem:$0x3FB5] =	sst s7  }
0x10: {  	[smem:$0x3FB6] =	sst s8  }
0x11: {  	[smem:$0x3FB7] =	sst s9;
	s0 =	simm.s32 @!p0 $0x0  }
0x12: {  	s1 =	sld [smem:$0x3F9D];
	s0 =	simm.s32 @p0 $0x1  }
0x13: {  	[smem:$0x3FB8] =	sst s0;
	s0 =	simm.s32 @!p1 $0x0  }
0x14: {  	s2 =	sld [smem:$0x3F9C];
	s0 =	simm.s32 @p1 $0x1  }
0x15: {  	[smem:$0x3FB9] =	sst s0;
	s0 =	simm.s32 @!p2 $0x0  }
0x16: {  	s3 =	sld [smem:$0x3FDB];
	s0 =	simm.s32 @p2 $0x1  }
0x17: {  	s4 =	simm.s32 $0x1BF5;
	[smem:$0x3FBB] =	sst s0  }
0x18: {  	s0 =	sld [smem:$0x3F9E];
	_ =	swait.ge [sflag:s4], $0x0  }
0x19: {  	s7 =	sld [smem:$0x3F9F]  }
0x1a: {  	s8 =	sadd.s32 $0xFFFFE003, lr  }
0x1b: {  	s9 =	sadd.s32 $0xFFFFFEF7, lr;
	s5 =	simm.s32 $0xFFFFFFFF;
	p2 =	slt.u32 s8, $0xFFFFF086  }
0x1c: {  	p1 =	slt.u32 s9, $0xF7A;
	s5 =	simm.s32 @!p2 $0x0  }
0x1d: {  	s5 =	simm.s32 @p1 $0x1;
	p0 =	seq.s32 s7, s2  }
0x1e: {  	s7 =	smul.u32 @!p0 $0xF7A, s2;
	p2 =	seq.s32 @!p0 s5, $0x0  }
0x1f: {  	s9 =	smul.u32 $0xF7A, s1;
	s8 =	simm.s32 @!p0 $0x1BF5;
	p2 =	por !p2, p0  }
0x20: {  	[sflag:s8] =	ssyncset.s32 @!p0 $0xFFFFF086;
	s6 =	sadd.s32 @!p0 s3, s7;
	s7 =	simm.s32 @!p0 $0x108  }
0x21: {  	s3 =	sadd.s32 s3, s9;
	s6 =	sadd.s32 @!p0 $0x88, s6;
	s7 =	simm.s32 @p2 $0x1082  }
0x22: {  	[simem:s7], [sflag:s8] =	dma.local @!p0 [hbm:s6], $0xF7A  }
0x23: {  	s9 =	sor.u32 $0xD0000000, s2;
	s6 =	simm.s32 $0x108;
	_ =	swait.ge @!p0 [sflag:s8], $0x0  }
0x24: {  	s3 =	sadd.s32 $0x88, s3;
	s6 =	simm.s32 @!p1 $0x1082;
	[sflag:s4] =	ssyncset.s32 $0xFFFFF086  }
0x25: {  	[simem:s6], [sflag:s4] =	dma.local [hbm:s3], $0xF7A  }
0x26: {  	[smem:$0x3F9F] =	sst s1;
	(tag) =	ssettag s2;
	_ =	strace s9  }
0x27: {  	s1 =	sld [smem:$0x3FAF]  }
0x28: {  	s2 =	sld [smem:$0x3FB0]  }
0x29: {  	s4 =	sld [smem:$0x3FB2]  }
0x2a: {  	p0 =	seq.s32 s5, $0x0;
	s5 =	sld [smem:$0x3FB3]  }
0x2b: {  	s6 =	sld [smem:$0x3FB4]  }
0x2c: {  	s7 =	sld [smem:$0x3FB5]  }
0x2d: {  	s3 =	simm.s32 $0x108;
	s8 =	sld [smem:$0x3FB6]  }
0x2e: {  	s3 =	simm.s32 @!p0 $0x1082;
	s9 =	sld [smem:$0x3FB7]  }
0x2f: {  	lr =	sadd.s32 s0, s3;
	s0 =	sld [smem:$0x3FAE]  }
0x30: {  	s3 =	sld [smem:$0x3FB1]  }
0x31: {  	[smem:$0x3FBA] =	sst s10  }
0x32: {  	s10 =	sld [smem:$0x3FB8];
	_ =	sdelay $0x3  }
0x33: {  	p0 =	seq.s32 s10, $0x1;
	s10 =	sld [smem:$0x3FBA];
	_ =	sdelay $0x3  }
0x34: {  	[smem:$0x3FBA] =	sst s10  }
0x35: {  	s10 =	sld [smem:$0x3FB9];
	_ =	sdelay $0x3  }
0x36: {  	p1 =	seq.s32 s10, $0x1;
	s10 =	sld [smem:$0x3FBA];
	_ =	sdelay $0x3  }
0x37: {  	[smem:$0x3FBA] =	sst s10  }
0x38: {  	s10 =	sld [smem:$0x3FBB]  }
0x39: {  	_ = 	snop;
	(pc) =	sbr.ind lr, $3  }
0x3a: {  	_ = 	snop  }
0x3b: {  	_ = 	snop  }
0x3c: {  	p2 =	seq.s32 s10, $0x1;
	s10 =	sld [smem:$0x3FBA]  }
0x3d: {  	_ =	shalt  }
0x3e: {  	_ =	shalt  }
0x3f: {  	_ =	shalt  }
0x40: {  	_ =	shalt  }
0x41: {  	_ =	shalt  }
0x42: {  	_ =	shalt  }
0x43: {  	_ =	shalt  }
0x44: {  	_ =	shalt  }
0x45: {  	_ =	shalt  }
0x46: {  	_ =	shalt  }
0x47: {  	_ =	shalt  }
0x48: {  	_ =	shalt  }
0x49: {  	_ =	shalt  }
0x4a: {  	_ =	shalt  }
0x4b: {  	_ =	shalt  }
0x4c: {  	_ =	shalt  }
0x4d: {  	_ =	shalt  }
0x4e: {  	_ =	shalt  }
0x4f: {  	_ =	shalt  }
0x50: {  	_ =	shalt  }
0x51: {  	_ =	shalt  }
0x52: {  	_ =	shalt  }
0x53: {  	_ =	shalt  }
0x54: {  	_ =	shalt  }
0x55: {  	_ =	shalt  }
0x56: {  	_ =	shalt  }
0x57: {  	_ =	shalt  }
0x58: {  	_ =	shalt  }
0x59: {  	_ =	shalt  }
0x5a: {  	_ =	shalt  }
0x5b: {  	_ =	shalt  }
0x5c: {  	_ =	shalt  }
0x5d: {  	_ =	shalt  }
0x5e: {  	_ =	shalt  }
0x5f: {  	_ =	shalt  }
0x60: {  	_ =	shalt  }
0x61: {  	_ =	shalt  }
0x62: {  	_ =	shalt  }
0x63: {  	_ =	shalt  }
0x64: {  	_ =	shalt  }
0x65: {  	_ =	shalt  }
0x66: {  	_ =	shalt  }
0x67: {  	_ =	shalt  }
0x68: {  	_ =	shalt  }
0x69: {  	_ =	shalt  }
0x6a: {  	_ =	shalt  }
0x6b: {  	_ =	shalt  }
0x6c: {  	_ =	shalt  }
0x6d: {  	_ =	shalt  }
0x6e: {  	_ =	shalt  }
0x6f: {  	_ =	shalt  }
0x70: {  	_ =	shalt  }
0x71: {  	_ =	shalt  }
0x72: {  	_ =	shalt  }
0x73: {  	_ =	shalt  }
0x74: {  	_ =	shalt  }
0x75: {  	_ =	shalt  }
0x76: {  	_ =	shalt  }
0x77: {  	_ =	shalt  }
0x78: {  	_ =	shalt  }
0x79: {  	_ =	shalt  }
0x7a: {  	_ =	shalt  }
0x7b: {  	_ =	shalt  }
0x7c: {  	_ =	shalt  }
0x7d: {  	_ =	shalt  }
0x7e: {  	_ =	shalt  }
0x7f: {  	_ =	shalt  }
0x80: {  	_ =	shalt  }
0x81: {  	_ =	shalt  }
0x82: {  	_ =	shalt  }
0x83: {  	_ =	shalt  }
0x84: {  	_ =	shalt  }
0x85: {  	_ =	shalt  }
0x86: {  	_ =	shalt  }
0x87: {  	_ =	shalt  }
.Lfunc_end0:
.L_simem_size_0:
called_computation_lowered:
.L_overlay_start_0:
0x88: {  	s2 =	sld [smem:$0x3FD9]  }
0x89: {  	s3 =	sld [smem:$0x3FFE];
	_ =	sdelay $0x1  }
0x8a: {  	s1 =	srdreg.scid  }
0x8b: {  	s0 =	sand.u32 $0x1, s1  }
0x8c: {  	s17 =	sshll.u32 s0, $0xA;
	s2 =	sadd.s32 s3, s2  }
0x8d: {  	s2 =	sadd.s32 s2, s17  }
0x8e: {  	[smem:$0x3FC6] =	sst s2  }
0x8f: {  	_ = 	snop  }
0x90: {  	s2 =	sld [smem:$0x3FD0];
	(tm) =	ssettm $0x1  }
0x91: {  	s18 =	sld [smem:$0x3FFB];
	_ =	sdelay $0x3  }
0x92: {  	_ =	strace s18  }
0x93: {  	s3 =	sld [smem:$0x3FFC];
	_ =	sdelay $0x3  }
0x94: {  	_ =	strace s3  }
0x95: {  	s3 =	sld [smem:$0x3FFD];
	_ =	sdelay $0x3  }
0x96: {  	_ =	strace s3  }
0x97: {  	_ =	strace $0x8FFFFFFF  }
0x98: {  	s19 =	sld [smem:$0x3FDB];
	_ =	sdelay $0x1  }
0x99: {  	s4 =	simm.s32 $_scs_section_size  }
0x9a: {  	s5 =	simm.s32 $_size__tile_overlayer_lowered;
	s6 =	simm.s32 $_tile_overlayer_lowered  }
0x9b: {  	s22 =	simm.s32 $0x1BFF;
	s21 =	sshll.u32 s6, $0x1;
	s3 =	sadd.s32 s4, s19  }
0x9c: {  	s7 =	simm.s32 $0x0;
	s20 =	sshll.u32 s5, $0x1;
	s5 =	sadd.s32 s21, s3  }
0x9d: {  	[timem:s7], [sflag:s22] =	dma.local [hbm:s5], s20  }
0x9e: {  	_ =	swait.ge [sflag:s22], s20  }
0x9f: {  	s4 =	ssub.s32 $0x0, s20;
	[sflag:s22] =	ssyncset.done $0x0  }
0xa0: {  	[sflag:s22] =	ssyncadd.s32 s4;
	_ =	sdelay $0x1  }
0xa1: {  	s23 =	simm.s32 $0x1B8B  }
0xa2: {  	_ =	swait.ge [sflag:s23], $0x1  }
0xa3: {  	[sflag:s23] =	ssyncset.done $0x0  }
0xa4: {  	s25 =	simm.s32 $0x1B8E;
	s24 =	sld [smem:$0x3FFE];
	[sflag:s23] =	ssyncadd.s32 $0xFFFFFFFF  }
0xa5: {  	s26 =	simm.s32 $execute0_lowered;
	[smem:$0x3FD2] =	sst s25  }
0xa6: {  	s5 =	sshll.u32 s26, $0x1;
	_ =	strace $0x80000046;
	[dreg:$0x1] =	wrdreg $0xFFFFFFFF  }
0xa7: {  	s28 =	simm.s32 $_size_execute0_lowered;
	s3 =	sadd.s32 s3, s5;
	[dreg:$0x0] =	wrdreg $0x0  }
0xa8: {  	s5 =	sshll.u32 s28, $0x1;
	[dreg:$0x2] =	wrdreg s3  }
0xa9: {  	[dreg:$0x3] =	wrdreg s5  }
0xaa: {  	[dreg:$0x4] =	wrdreg $0xC0  }
0xab: {  	_ =	task [dreg:s7], $0x5FFFF  }
0xac: {  	[dreg:$0x1] =	wrdreg $0xFFFFFFFF  }
0xad: {  	[dreg:$0x0] =	wrdreg $0x60  }
0xae: {  	[dreg:$0x2] =	wrdreg s24  }
0xaf: {  	[dreg:$0x3] =	wrdreg s2  }
0xb0: {  	[dreg:$0x4] =	wrdreg $0x9  }
0xb1: {  	_ =	task.clear_ibuf [dreg:s7], $0x5FFFF;
	_ =	strace $0x90000046  }
0xb2: {  	s29 =	simm.s32 $0x9;
	_ =	strace $0x80000048  }
0xb3: {  	_ =	swait.ge [sflag:s29], $0x1  }
0xb4: {  	[sflag:s29] =	ssyncadd.s32 $0xFFFFFFFF  }
0xb5: {  	_ =	strace $0x90000048  }
0xb6: {  	_ =	sfence  }
0xb7: {  	s30 =	sld [smem:$0x0];
	_ =	sdelay $0x2  }
0xb8: {  	s31 =	sshll.u32 s1, $0xD;
	s1 =	sshrl.u32 s1, $0x2  }
0xb9: {  	s3 =	sand.u32 $0x4000, s31;
	s1 =	sadd.s32 s1, s30  }
0xba: {  	s0 =	sor.u32 s3, s0;
	s1 =	sshll.u32 s1, $0x11  }
0xbb: {  	s0 =	sor.u32 s1, s0  }
0xbc: {  	s0 =	sadd.s32 $0x8F2B, s0  }
0xbd: {  	[sflag:s0] =	ssyncadd.remote.s32 $0x1  }
0xbe: {  	_ =	sfence.sel $0xFFFF  }
0xbf: {  	[dreg:$0x0] =	wrdreg $0xFFFFFFFF;
	(pc) =	sbr.abs _section_cstart, $3  }
0xc0: {  	[dreg:$0x1] =	wrdreg $0xFFFFFFFF  }
0xc1: {  	_ =	task.clear_ibuf [dreg:s7], $0x2FFFF;
	_ =	strace $0x9FFFFFFF  }
0xc2: {  	(tm) =	ssettm $0x7FFFFFFF  }
0xc3: {  	_ =	shalt  }
tec
execute0_lowered:
.L_overlay_start_1:
0x0: {  	(tag) =	ssettag $0x1  }
0x1: {  	s6 =	rddreg [dreg:$0x0]  }
0x2: {  	s0 =	rddreg [dreg:$0x1];
	s2 =	simm.s32 $0x0  }
0x3: {  	[smem:$0x7FF] =	sst s2  }
0x4: {  	s25 =	srdreg.scid;
	s19 =	sadd.s32 $0x18E200, s6;
	s20 =	sadd.s32 $0x16F800, s6  }
0x5: {  	s3 =	stileid.u32;
	s21 =	sadd.s32 $0x150E00, s6;
	s22 =	sadd.s32 $0x132400, s6  }
0x6: {  	s14 =	simm.s32 $0x2;
	s23 =	sadd.s32 $0x113A00, s6;
	s24 =	sadd.s32 $0x245E00, s6  }
0x7: {  	s1 =	sadd.s32 $0x1EA00, s6;
	s10 =	sadd.s32 $0x227400, s6;
	s11 =	sadd.s32 $0xF5000, s6  }
0x8: {  	s12 =	sadd.s32 $0x208A00, s6;
	_ =	strace $0x80000047;
	[dreg:$0x3] =	wrdreg s1  }
0x9: {  	s13 =	sadd.s32 $0x1EA000, s6;
	s15 =	sadd.s32 $0x1CB600, s6;
	[dreg:$0x4] =	wrdreg s19  }
0xa: {  	s16 =	sadd.s32 $0x1ACC00, s6;
	s17 =	sadd.s32 $0x2FDA00, s6;
	[dreg:$0x5] =	wrdreg s20  }
0xb: {  	s18 =	sadd.s32 $0x2DF000, s6;
	s3 =	sshll.u32 s3, $0x1;
	[dreg:$0x6] =	wrdreg s21  }
0xc: {  	s28 =	sadd.s32 $0xB7C00, s6;
	s29 =	sadd.s32 $0x99200, s6;
	[dreg:$0x7] =	wrdreg s22  }
0xd: {  	s30 =	sadd.s32 $0x7A800, s6;
	s31 =	sadd.s32 $0x5BE00, s6;
	[dreg:$0x8] =	wrdreg s23  }
0xe: {  	[dreg:$0x9] =	wrdreg s24;
	s1 =	sand.u32 $0x1, s25;
	s19 =	sadd.s32 $0x2C0600, s6  }
0xf: {  	s20 =	sadd.s32 $0x2A1C00, s6;
	s3 =	sor.u32 s1, s3;
	s1 =	ssub.s32 $0x2, s1  }
0x10: {  	s21 =	sadd.s32 $0x283200, s6;
	s23 =	sadd.s32 $0x264800, s6;
	s5 =	sshrl.u32 s1, $0x1  }
0x11: {  	s4 =	smul.u32 $0x680, s3;
	s3 =	sshll.u32 s3, $0x6;
	s1 =	ssub.s32 s1, s5  }
0x12: {  	s22 =	sadd.s32 s0, s3;
	s0 =	sadd.s32 $0x3D400, s6;
	s3 =	simm.s32 $0x1  }
0x13: {  	s26 =	sadd.s32 s4, s6;
	s25 =	smax.u32 s1, $0x1;
	s1 =	simm.s32 $0x200  }
0x14: {  	s4 =	simm.s32 $0x0;
	s24 =	sadd.s32 $0x31C400, s26;
	s26 =	sadd.s32 $0xD6600, s6  }
.LBB2_1:
0x15: {  	[tilespmem:s2], [sflag:$0x2] =	stream.linear.gather [hbm4b:s24+s2], $0x3400, $0x38;
	[tilespmem:$0x6A00] =	vst v63  }
0x16: {  	_ =	swait.ge [sflag:s14], $0x3400  }
0x17: {  	[sflag:s14] =	ssyncset.done $0x0  }
0x18: {  	s6 =	simm.s32 $0x3400;
	s5 =	rddreg [dreg:$0x3];
	[sflag:s14] =	ssyncadd.s32 $0xFFFFCC00  }
0x19: {  	[tilespmem:s6], [sflag:$0x1] =	stream.indirect.gather [hbm4b:s5+s1], $0x1, s2, s1, $0xb8;
	[tilespmem:$0x6A00] =	vst v63  }
0x1a: {  	s7 =	simm.s32 $0x3600;
	s6 =	rddreg [dreg:$0x0]  }
0x1b: {  	[tilespmem:s7], [sflag:$0x1] =	stream.indirect.gather [hbm4b:s6+s1], $0x1, s1, s1, $0xb8;
	[tilespmem:$0x6A00] =	vst v63  }
0x1c: {  	s9 =	simm.s32 $0x400;
	s8 =	rddreg [dreg:$0x4];
	s7 =	simm.s32 $0x3800  }
0x1d: {  	[tilespmem:s7], [sflag:$0x1] =	stream.indirect.gather [hbm4b:s8+s1], $0x1, s9, s1, $0xb8;
	[tilespmem:$0x6A00] =	vst v63  }
0x1e: {  	s7 =	rddreg [dreg:$0x5];
	s8 =	simm.s32 $0x600;
	s9 =	simm.s32 $0x3A00  }
0x1f: {  	[tilespmem:s9], [sflag:$0x1] =	stream.indirect.gather [hbm4b:s7+s1], $0x1, s8, s1, $0xb8;
	[tilespmem:$0x6A00] =	vst v63  }
0x20: {  	s7 =	rddreg [dreg:$0x6];
	s8 =	simm.s32 $0x800;
	s9 =	simm.s32 $0x3C00  }
0x21: {  	[tilespmem:s9], [sflag:$0x1] =	stream.indirect.gather [hbm4b:s7+s1], $0x1, s8, s1, $0xb8;
	[tilespmem:$0x6A00] =	vst v63  }
0x22: {  	s7 =	rddreg [dreg:$0x7];
	s8 =	simm.s32 $0xA00;
	s9 =	simm.s32 $0x3E00  }
0x23: {  	[tilespmem:s9], [sflag:$0x1] =	stream.indirect.gather [hbm4b:s7+s1], $0x1, s8, s1, $0xb8;
	[tilespmem:$0x6A00] =	vst v63  }
0x24: {  	s7 =	rddreg [dreg:$0x8];
	s8 =	simm.s32 $0xC00;
	s9 =	simm.s32 $0x4000  }
0x25: {  	[tilespmem:s9], [sflag:$0x1] =	stream.indirect.gather [hbm4b:s7+s1], $0x1, s8, s1, $0xb8;
	[tilespmem:$0x6A00] =	vst v63  }
0x26: {  	s8 =	simm.s32 $0xE00;
	s9 =	simm.s32 $0x4200  }
0x27: {  	[tilespmem:s9], [sflag:$0x1] =	stream.indirect.gather [hbm4b:s11+s1], $0x1, s8, s1, $0xb8;
	[tilespmem:$0x6A00] =	vst v63  }
0x28: {  	s7 =	rddreg [dreg:$0x9];
	s8 =	simm.s32 $0x1000;
	s9 =	simm.s32 $0x4400  }
0x29: {  	[tilespmem:s9], [sflag:$0x1] =	stream.indirect.gather [hbm4b:s7+s1], $0x1, s8, s1, $0xb8;
	[tilespmem:$0x6A00] =	vst v63  }
0x2a: {  	s8 =	simm.s32 $0x1200;
	s9 =	simm.s32 $0x4600  }
0x2b: {  	[tilespmem:s9], [sflag:$0x1] =	stream.indirect.gather [hbm4b:s10+s1], $0x1, s8, s1, $0xb8;
	[tilespmem:$0x6A00] =	vst v63  }
0x2c: {  	s6 =	simm.s32 $0x1400;
	s7 =	simm.s32 $0x4800  }
0x2d: {  	[tilespmem:s7], [sflag:$0x1] =	stream.indirect.gather [hbm4b:s12+s1], $0x1, s6, s1, $0xb8;
	[tilespmem:$0x6A00] =	vst v63  }
0x2e: {  	s8 =	simm.s32 $0x1600;
	s9 =	simm.s32 $0x4A00  }
0x2f: {  	[tilespmem:s9], [sflag:$0x1] =	stream.indirect.gather [hbm4b:s13+s1], $0x1, s8, s1, $0xb8;
	[tilespmem:$0x6A00] =	vst v63  }
0x30: {  	s6 =	simm.s32 $0x1800;
	s7 =	simm.s32 $0x4C00  }
0x31: {  	[tilespmem:s7], [sflag:$0x1] =	stream.indirect.gather [hbm4b:s15+s1], $0x1, s6, s1, $0xb8;
	[tilespmem:$0x6A00] =	vst v63  }
0x32: {  	s8 =	simm.s32 $0x1A00;
	s9 =	simm.s32 $0x4E00  }
0x33: {  	[tilespmem:s9], [sflag:$0x1] =	stream.indirect.gather [hbm4b:s16+s1], $0x1, s8, s1, $0xb8;
	[tilespmem:$0x6A00] =	vst v63  }
0x34: {  	s6 =	simm.s32 $0x1C00;
	s7 =	simm.s32 $0x5000  }
0x35: {  	[tilespmem:s7], [sflag:$0x1] =	stream.indirect.gather [hbm4b:s17+s1], $0x1, s6, s1, $0xb8;
	[tilespmem:$0x6A00] =	vst v63  }
0x36: {  	s8 =	simm.s32 $0x1E00;
	s9 =	simm.s32 $0x5200  }
0x37: {  	[tilespmem:s9], [sflag:$0x1] =	stream.indirect.gather [hbm4b:s18+s1], $0x1, s8, s1, $0xb8;
	[tilespmem:$0x6A00] =	vst v63  }
0x38: {  	s6 =	simm.s32 $0x2000;
	s7 =	simm.s32 $0x5400  }
0x39: {  	[tilespmem:s7], [sflag:$0x1] =	stream.indirect.gather [hbm4b:s19+s1], $0x1, s6, s1, $0xb8;
	[tilespmem:$0x6A00] =	vst v63  }
0x3a: {  	s8 =	simm.s32 $0x2200;
	s9 =	simm.s32 $0x5600  }
0x3b: {  	[tilespmem:s9], [sflag:$0x1] =	stream.indirect.gather [hbm4b:s20+s1], $0x1, s8, s1, $0xb8;
	[tilespmem:$0x6A00] =	vst v63  }
0x3c: {  	s6 =	simm.s32 $0x2400;
	s7 =	simm.s32 $0x5800  }
0x3d: {  	[tilespmem:s7], [sflag:$0x1] =	stream.indirect.gather [hbm4b:s21+s1], $0x1, s6, s1, $0xb8;
	[tilespmem:$0x6A00] =	vst v63  }
0x3e: {  	s8 =	simm.s32 $0x2600;
	s9 =	simm.s32 $0x5A00  }
0x3f: {  	[tilespmem:s9], [sflag:$0x1] =	stream.indirect.gather [hbm4b:s23+s1], $0x1, s8, s1, $0xb8;
	[tilespmem:$0x6A00] =	vst v63  }
0x40: {  	s6 =	simm.s32 $0x2800;
	s7 =	simm.s32 $0x5C00  }
0x41: {  	[tilespmem:s7], [sflag:$0x1] =	stream.indirect.gather [hbm4b:s26+s1], $0x1, s6, s1, $0xb8;
	[tilespmem:$0x6A00] =	vst v63  }
0x42: {  	s8 =	simm.s32 $0x2A00;
	s9 =	simm.s32 $0x5E00  }
0x43: {  	[tilespmem:s9], [sflag:$0x1] =	stream.indirect.gather [hbm4b:s28+s1], $0x1, s8, s1, $0xb8;
	[tilespmem:$0x6A00] =	vst v63  }
0x44: {  	s6 =	simm.s32 $0x2C00;
	s7 =	simm.s32 $0x6000  }
0x45: {  	[tilespmem:s7], [sflag:$0x1] =	stream.indirect.gather [hbm4b:s29+s1], $0x1, s6, s1, $0xb8;
	[tilespmem:$0x6A00] =	vst v63  }
0x46: {  	s8 =	simm.s32 $0x2E00;
	s9 =	simm.s32 $0x6200  }
0x47: {  	[tilespmem:s9], [sflag:$0x1] =	stream.indirect.gather [hbm4b:s30+s1], $0x1, s8, s1, $0xb8;
	[tilespmem:$0x6A00] =	vst v63  }
0x48: {  	s6 =	simm.s32 $0x3000;
	s7 =	simm.s32 $0x6400  }
0x49: {  	[tilespmem:s7], [sflag:$0x1] =	stream.indirect.gather [hbm4b:s31+s1], $0x1, s6, s1, $0xb8;
	[tilespmem:$0x6A00] =	vst v63  }
0x4a: {  	s8 =	simm.s32 $0x3200;
	s9 =	simm.s32 $0x6600  }
0x4b: {  	[tilespmem:s9], [sflag:$0x1] =	stream.indirect.gather [hbm4b:s0+s1], $0x1, s8, s1, $0xb8;
	[tilespmem:$0x6A00] =	vst v63  }
0x4c: {  	_ =	swait.ge [sflag:s3], $0x200  }
0x4d: {  	[sflag:s3] =	ssyncset.done $0x0  }
0x4e: {  	[sflag:s3] =	ssyncadd.s32 $0xFFFFFE00  }
0x4f: {  	_ =	swait.ge [sflag:s3], $0x200  }
0x50: {  	[sflag:s3] =	ssyncset.done $0x0  }
0x51: {  	[sflag:s3] =	ssyncadd.s32 $0xFFFFFE00  }
0x52: {  	_ =	swait.ge [sflag:s3], $0x200  }
0x53: {  	[sflag:s3] =	ssyncset.done $0x0  }
0x54: {  	[sflag:s3] =	ssyncadd.s32 $0xFFFFFE00  }
0x55: {  	_ =	swait.ge [sflag:s3], $0x200  }
0x56: {  	[sflag:s3] =	ssyncset.done $0x0  }
0x57: {  	[sflag:s3] =	ssyncadd.s32 $0xFFFFFE00  }
0x58: {  	_ =	swait.ge [sflag:s3], $0x200  }
0x59: {  	[sflag:s3] =	ssyncset.done $0x0  }
0x5a: {  	[sflag:s3] =	ssyncadd.s32 $0xFFFFFE00  }
0x5b: {  	_ =	swait.ge [sflag:s3], $0x200  }
0x5c: {  	[sflag:s3] =	ssyncset.done $0x0  }
0x5d: {  	[sflag:s3] =	ssyncadd.s32 $0xFFFFFE00  }
0x5e: {  	_ =	swait.ge [sflag:s3], $0x200  }
0x5f: {  	[sflag:s3] =	ssyncset.done $0x0  }
0x60: {  	[sflag:s3] =	ssyncadd.s32 $0xFFFFFE00  }
0x61: {  	_ =	swait.ge [sflag:s3], $0x200  }
0x62: {  	[sflag:s3] =	ssyncset.done $0x0  }
0x63: {  	[sflag:s3] =	ssyncadd.s32 $0xFFFFFE00  }
0x64: {  	_ =	swait.ge [sflag:s3], $0x200  }
0x65: {  	[sflag:s3] =	ssyncset.done $0x0  }
0x66: {  	[sflag:s3] =	ssyncadd.s32 $0xFFFFFE00  }
0x67: {  	_ =	swait.ge [sflag:s3], $0x200  }
0x68: {  	[sflag:s3] =	ssyncset.done $0x0  }
0x69: {  	[sflag:s3] =	ssyncadd.s32 $0xFFFFFE00  }
0x6a: {  	_ =	swait.ge [sflag:s3], $0x200  }
0x6b: {  	[sflag:s3] =	ssyncset.done $0x0  }
0x6c: {  	[sflag:s3] =	ssyncadd.s32 $0xFFFFFE00  }
0x6d: {  	_ =	swait.ge [sflag:s3], $0x200  }
0x6e: {  	[sflag:s3] =	ssyncset.done $0x0  }
0x6f: {  	[sflag:s3] =	ssyncadd.s32 $0xFFFFFE00  }
0x70: {  	_ =	swait.ge [sflag:s3], $0x200  }
0x71: {  	[sflag:s3] =	ssyncset.done $0x0  }
0x72: {  	[sflag:s3] =	ssyncadd.s32 $0xFFFFFE00  }
0x73: {  	_ =	swait.ge [sflag:s3], $0x200  }
0x74: {  	[sflag:s3] =	ssyncset.done $0x0  }
0x75: {  	[sflag:s3] =	ssyncadd.s32 $0xFFFFFE00  }
0x76: {  	_ =	swait.ge [sflag:s3], $0x200  }
0x77: {  	[sflag:s3] =	ssyncset.done $0x0  }
0x78: {  	[sflag:s3] =	ssyncadd.s32 $0xFFFFFE00  }
0x79: {  	_ =	swait.ge [sflag:s3], $0x200  }
0x7a: {  	[sflag:s3] =	ssyncset.done $0x0  }
0x7b: {  	[sflag:s3] =	ssyncadd.s32 $0xFFFFFE00  }
0x7c: {  	_ =	swait.ge [sflag:s3], $0x200  }
0x7d: {  	[sflag:s3] =	ssyncset.done $0x0  }
0x7e: {  	[sflag:s3] =	ssyncadd.s32 $0xFFFFFE00  }
0x7f: {  	_ =	swait.ge [sflag:s3], $0x200  }
0x80: {  	[sflag:s3] =	ssyncset.done $0x0  }
0x81: {  	[sflag:s3] =	ssyncadd.s32 $0xFFFFFE00  }
0x82: {  	_ =	swait.ge [sflag:s3], $0x200  }
0x83: {  	[sflag:s3] =	ssyncset.done $0x0  }
0x84: {  	[sflag:s3] =	ssyncadd.s32 $0xFFFFFE00  }
0x85: {  	_ =	swait.ge [sflag:s3], $0x200  }
0x86: {  	[sflag:s3] =	ssyncset.done $0x0  }
0x87: {  	[sflag:s3] =	ssyncadd.s32 $0xFFFFFE00  }
0x88: {  	_ =	swait.ge [sflag:s3], $0x200  }
0x89: {  	[sflag:s3] =	ssyncset.done $0x0  }
0x8a: {  	[sflag:s3] =	ssyncadd.s32 $0xFFFFFE00  }
0x8b: {  	_ =	swait.ge [sflag:s3], $0x200  }
0x8c: {  	[sflag:s3] =	ssyncset.done $0x0  }
0x8d: {  	[sflag:s3] =	ssyncadd.s32 $0xFFFFFE00  }
0x8e: {  	_ =	swait.ge [sflag:s3], $0x200  }
0x8f: {  	[sflag:s3] =	ssyncset.done $0x0  }
0x90: {  	[sflag:s3] =	ssyncadd.s32 $0xFFFFFE00  }
0x91: {  	_ =	swait.ge [sflag:s3], $0x200  }
0x92: {  	[sflag:s3] =	ssyncset.done $0x0  }
0x93: {  	[sflag:s3] =	ssyncadd.s32 $0xFFFFFE00  }
0x94: {  	_ =	swait.ge [sflag:s3], $0x200  }
0x95: {  	[sflag:s3] =	ssyncset.done $0x0  }
0x96: {  	[sflag:s3] =	ssyncadd.s32 $0xFFFFFE00  }
0x97: {  	_ =	swait.ge [sflag:s3], $0x200  }
0x98: {  	[sflag:s3] =	ssyncset.done $0x0  }
0x99: {  	s7 =	simm.s32 $0x0;
	[sflag:s3] =	ssyncadd.s32 $0xFFFFFE00  }
0x9a: {  	v0 =	vld [tilespmem:s7+$0x3400]  }
0x9b: {  	v1 =	vld [tilespmem:s7+$0x3600];
	_ =	sdelay $0x1  }
0x9c: {  	v2 =	vld [tilespmem:s7+$0x3800];
	_ =	sdelay $0x1  }
0x9d: {  	v3 =	vld [tilespmem:s7+$0x3A00]  }
0x9e: {  	v0 =	vadd.f32 v1, v0  }
0x9f: {  	v1 =	vld [tilespmem:s7+$0x3C00]  }
0xa0: {  	v0 =	vadd.f32 v2, v0  }
0xa1: {  	v2 =	vld [tilespmem:s7+$0x3E00]  }
0xa2: {  	v0 =	vadd.f32 v3, v0  }
0xa3: {  	v3 =	vld [tilespmem:s7+$0x4000]  }
0xa4: {  	v0 =	vadd.f32 v1, v0  }
0xa5: {  	v1 =	vld [tilespmem:s7+$0x4200]  }
0xa6: {  	v0 =	vadd.f32 v2, v0  }
0xa7: {  	v2 =	vld [tilespmem:s7+$0x4400]  }
0xa8: {  	v4 =	vld [tilespmem:s7+$0x4600];
	v0 =	vadd.f32 v3, v0  }
0xa9: {  	v5 =	vld [tilespmem:s7+$0x4A00]  }
0xaa: {  	v6 =	vld [tilespmem:s7+$0x4E00];
	v0 =	vadd.f32 v1, v0  }
0xab: {  	s5 =	simm.s32 $0x10;
	v3 =	vld [tilespmem:s7+$0x4800]  }
0xac: {  	v7 =	vld [tilespmem:s5+$0x3600];
	v0 =	vadd.f32 v2, v0  }
0xad: {  	v8 =	vld [tilespmem:s5+$0x3800]  }
0xae: {  	v1 =	vld [tilespmem:s7+$0x4C00];
	v0 =	vadd.f32 v4, v0  }
0xaf: {  	v2 =	vld [tilespmem:s5+$0x3400]  }
0xb0: {  	v9 =	vld [tilespmem:s5+$0x3A00];
	v0 =	vadd.f32 v3, v0  }
0xb1: {  	v60 =	vld [tilespmem:s5+$0x4000]  }
0xb2: {  	v61 =	vld [tilespmem:s7+$0x6000];
	v0 =	vadd.f32 v5, v0  }
0xb3: {  	v4 =	vld [tilespmem:s7+$0x5000]  }
0xb4: {  	v3 =	vld [tilespmem:s7+$0x5200];
	v2 =	vadd.f32 v7, v2;
	v0 =	vadd.f32 v1, v0  }
0xb5: {  	v7 =	vld [tilespmem:s5+$0x3C00]  }
0xb6: {  	v5 =	vld [tilespmem:s7+$0x5400];
	v2 =	vadd.f32 v8, v2;
	v0 =	vadd.f32 v6, v0  }
0xb7: {  	v8 =	vld [tilespmem:s5+$0x3E00]  }
0xb8: {  	v62 =	vld [tilespmem:s5+$0x5000];
	v2 =	vadd.f32 v9, v2;
	v0 =	vadd.f32 v4, v0  }
0xb9: {  	v1 =	vld [tilespmem:s7+$0x5600]  }
0xba: {  	v6 =	vld [tilespmem:s7+$0x5800];
	v2 =	vadd.f32 v7, v2;
	v0 =	vadd.f32 v3, v0  }
0xbb: {  	v7 =	vld [tilespmem:s5+$0x4200]  }
0xbc: {  	v4 =	vld [tilespmem:s7+$0x5A00];
	v2 =	vadd.f32 v8, v2;
	v0 =	vadd.f32 v5, v0  }
0xbd: {  	v5 =	vld [tilespmem:s5+$0x4400]  }
0xbe: {  	v3 =	vld [tilespmem:s7+$0x5C00];
	v2 =	vadd.f32 v60, v2;
	v0 =	vadd.f32 v1, v0  }
0xbf: {  	v1 =	vld [tilespmem:s5+$0x4600]  }
0xc0: {  	v8 =	vld [tilespmem:s7+$0x5E00];
	v2 =	vadd.f32 v7, v2;
	v0 =	vadd.f32 v6, v0  }
0xc1: {  	v6 =	vld [tilespmem:s5+$0x4800]  }
0xc2: {  	v7 =	vld [tilespmem:s7+$0x6200];
	v2 =	vadd.f32 v5, v2;
	v0 =	vadd.f32 v4, v0  }
0xc3: {  	v4 =	vld [tilespmem:s5+$0x4A00]  }
0xc4: {  	v5 =	vld [tilespmem:s7+$0x6400];
	v1 =	vadd.f32 v1, v2;
	v0 =	vadd.f32 v3, v0  }
0xc5: {  	v3 =	vld [tilespmem:s5+$0x4C00]  }
0xc6: {  	s6 =	simm.s32 $0x20;
	v1 =	vadd.f32 v6, v1;
	v6 =	vld [tilespmem:s5+$0x4E00];
	v0 =	vadd.f32 v8, v0  }
0xc7: {  	v8 =	vld [tilespmem:s6+$0x3400]  }
0xc8: {  	v1 =	vadd.f32 v4, v1;
	v4 =	vld [tilespmem:s6+$0x3600];
	v0 =	vadd.f32 v61, v0  }
0xc9: {  	v2 =	vld [tilespmem:s7+$0x6600]  }
0xca: {  	v1 =	vadd.f32 v3, v1;
	v3 =	vld [tilespmem:s6+$0x3800];
	v0 =	vadd.f32 v7, v0  }
0xcb: {  	v7 =	vld [tilespmem:s5+$0x5200]  }
0xcc: {  	v1 =	vadd.f32 v6, v1;
	v6 =	vld [tilespmem:s6+$0x3A00];
	v0 =	vadd.f32 v5, v0  }
0xcd: {  	v5 =	vld [tilespmem:s5+$0x5400];
	v4 =	vadd.f32 v4, v8  }
0xce: {  	v8 =	vld [tilespmem:s6+$0x3C00];
	v0 =	vadd.f32 v2, v0  }
0xcf: {  	v1 =	vadd.f32 v62, v1;
	v2 =	vld [tilespmem:s5+$0x5600];
	v3 =	vadd.f32 v3, v4  }
0xd0: {  	v4 =	vld [tilespmem:s6+$0x3E00];
	v0 =	vsub.f32 $0.0e+00, v0  }
0xd1: {  	v1 =	vadd.f32 v7, v1;
	v3 =	vadd.f32 v6, v3  }
0xd2: {  	v6 =	vld [tilespmem:s6+$0x4000];
	v0 =	vmul.f32 $1.442695020e+00, v0  }
0xd3: {  	v7 =	vld [tilespmem:s5+$0x5800];
	v1 =	vadd.f32 v5, v1;
	v3 =	vadd.f32 v8, v3  }
0xd4: {  	v8 =	vld [tilespmem:s6+$0x4200];
	(erf) = vpow2.f32 v0  }
0xd5: {  	v5 =	vld [tilespmem:s5+$0x5A00];
	v1 =	vadd.f32 v2, v1;
	v2 =	vadd.f32 v4, v3  }
0xd6: {  	v0 =	vld [tilespmem:s5+$0x5C00]  }
0xd7: {  	v4 =	vld [tilespmem:s6+$0x4400];
	v2 =	vadd.f32 v6, v2  }
0xd8: {  	v1 =	vadd.f32 v7, v1  }
0xd9: {  	v6 =	vld [tilespmem:s6+$0x4600];
	v2 =	vadd.f32 v8, v2  }
0xda: {  	v1 =	vadd.f32 v5, v1  }
0xdb: {  	v3 =	vld [tilespmem:s5+$0x5E00]  }
0xdc: {  	v0 =	vadd.f32 v0, v1;
	v1 =	vadd.f32 v4, v2  }
0xdd: {  	v5 =	vld [tilespmem:s5+$0x6000];
	v2 =	vpop (erf)  }
0xde: {  	v7 =	vld [tilespmem:s5+$0x6200];
	v4 =	vadd.f32 v6, v1;
	v6 =	vadd.f32 $1.000000000e+00, v2  }
0xdf: {  	v8 =	vld [tilespmem:s6+$0x4800]  }
0xe0: {  	v63 =	vld [tilespmem:s5+$0x6400];
	v0 =	vadd.f32 v3, v0;
	(erf) = vrcp.f32 v6  }
0xe1: {  	v10 =	vld [tilespmem:s6+$0x4A00]  }
0xe2: {  	v3 =	vld [tilespmem:s5+$0x6600];
	v5 =	vadd.f32 v5, v0  }
0xe3: {  	v1 =	vld [tilespmem:s6+$0x4C00]  }
0xe4: {  	s8 =	simm.s32 $0x30;
	v0 =	vld [tilespmem:s6+$0x4E00];
	v8 =	vadd.f32 v8, v4;
	v7 =	vadd.f32 v7, v5  }
0xe5: {  	v2 =	vld [tilespmem:s8+$0x3400]  }
0xe6: {  	s9 =	simm.s32 $0x100;
	v4 =	vld [tilespmem:s8+$0x3600];
	v5 =	vadd.f32 v10, v8;
	v6 =	vadd.f32 v63, v7  }
.LBB2_2:
0xe7: {  	p0 =	sne.s32 s9, $0x7C0;
	v7 =	vld [tilespmem:s6+$0x5000]  }
0xe8: {  	v8 =	vld [tilespmem:s8+$0x3800];
	v1 =	vadd.f32 v1, v5;
	v3 =	vadd.f32 v3, v6  }
0xe9: {  	v5 =	vld [tilespmem:s6+$0x5200];
	v6 =	vpop (erf)  }
0xea: {  	v9 =	vld [tilespmem:s8+$0x3A00];
	v0 =	vadd.f32 v0, v1;
	v1 =	vsub.f32 $0.0e+00, v3;
	[tilespmem:s7+$0x6800] =	vst v6;
	s7 =	smov.u32 s5;
	s5 =	smov.u32 s6;
	s6 =	smov.u32 s8  }
0xeb: {  	v2 =	vadd.f32 v4, v2;
	v3 =	vld [tilespmem:s5+$0x5400]  }
0xec: {  	v4 =	vld [tilespmem:s6+$0x3C00];
	v0 =	vadd.f32 v7, v0;
	v1 =	vmul.f32 $1.442695020e+00, v1  }
0xed: {  	v2 =	vadd.f32 v8, v2;
	v6 =	vld [tilespmem:s5+$0x5600]  }
0xee: {  	v7 =	vld [tilespmem:s6+$0x3E00];
	v0 =	vadd.f32 v5, v0;
	(erf) = vpow2.f32 v1  }
0xef: {  	v1 =	vadd.f32 v9, v2;
	v2 =	vld [tilespmem:s5+$0x5800]  }
0xf0: {  	v5 =	vld [tilespmem:s6+$0x4000];
	v0 =	vadd.f32 v3, v0  }
0xf1: {  	v1 =	vadd.f32 v4, v1;
	v3 =	vld [tilespmem:s5+$0x5A00]  }
0xf2: {  	v4 =	vld [tilespmem:s6+$0x4200];
	v0 =	vadd.f32 v6, v0  }
0xf3: {  	v1 =	vadd.f32 v7, v1;
	v6 =	vld [tilespmem:s5+$0x5C00]  }
0xf4: {  	v0 =	vadd.f32 v2, v0;
	v2 =	vld [tilespmem:s5+$0x5E00]  }
0xf5: {  	v1 =	vadd.f32 v5, v1;
	v5 =	vld [tilespmem:s6+$0x4400]  }
0xf6: {  	v0 =	vadd.f32 v3, v0;
	v3 =	vld [tilespmem:s5+$0x6000]  }
0xf7: {  	v1 =	vadd.f32 v4, v1;
	v4 =	vld [tilespmem:s6+$0x4600];
	v7 =	vpop (erf)  }
0xf8: {  	v0 =	vadd.f32 v6, v0;
	v6 =	vld [tilespmem:s5+$0x6200];
	v7 =	vadd.f32 $1.000000000e+00, v7  }
0xf9: {  	v8 =	vld [tilespmem:s6+$0x4800]  }
0xfa: {  	v1 =	vadd.f32 v5, v1;
	v0 =	vadd.f32 v2, v0;
	v9 =	vld [tilespmem:s5+$0x6400];
	(erf) = vrcp.f32 v7  }
0xfb: {  	v5 =	vld [tilespmem:s6+$0x4A00]  }
.Ltmp0:
0xfc: {  	v2 =	vadd.f32 v4, v1;
	v4 =	vadd.f32 v3, v0;
	v3 =	vld [tilespmem:s5+$0x6600];
	(pc) =	sbr.rel @p0 .LBB2_2-.Ltmp0, $4  }
0xfd: {  	v1 =	vld [tilespmem:s6+$0x4C00]  }
0xfe: {  	s8 =	sshra.s32 s9, $0x2;
	v7 =	vadd.f32 v8, v2;
	v0 =	vld [tilespmem:s6+$0x4E00];
	v6 =	vadd.f32 v6, v4  }
0xff: {  	v2 =	vld [tilespmem:s8+$0x3400]  }
0x100: {  	s9 =	sadd.s32 $0x40, s9;
	v4 =	vld [tilespmem:s8+$0x3600];
	v5 =	vadd.f32 v5, v7;
	v6 =	vadd.f32 v9, v6  }
0x101: {  	_ = 	snop  }
0x102: {  	v3 =	vadd.f32 v3, v6  }
0x103: {  	v27 =	vld [tilespmem:s8+$0x3800]  }
0x104: {  	v7 =	vld [tilespmem:s6+$0x5000];
	v3 =	vsub.f32 $0.0e+00, v3  }
0x105: {  	v10 =	vld [tilespmem:s8+$0x3A00];
	v9 =	vpop (erf)  }
0x106: {  	v8 =	vld [tilespmem:s6+$0x5200];
	[tilespmem:s7+$0x6800] =	vst v9;
	v2 =	vadd.f32 v4, v2;
	v3 =	vmul.f32 $1.442695020e+00, v3  }
0x107: {  	v28 =	vld [tilespmem:s8+$0x3C00]  }
0x108: {  	v2 =	vadd.f32 v27, v2;
	(erf) = vpow2.f32 v3  }
0x109: {  	v29 =	vld [tilespmem:s8+$0x3E00]  }
0x10a: {  	v2 =	vadd.f32 v10, v2  }
0x10b: {  	v9 =	vld [tilespmem:s8+$0x4000]  }
0x10c: {  	v30 =	vld [tilespmem:s6+$0x5400];
	v2 =	vadd.f32 v28, v2  }
0x10d: {  	v32 =	vld [tilespmem:s8+$0x4200]  }
0x10e: {  	v31 =	vld [tilespmem:s6+$0x5600];
	v2 =	vadd.f32 v29, v2  }
0x10f: {  	v1 =	vadd.f32 v1, v5;
	v33 =	vld [tilespmem:s8+$0x4400]  }
0x110: {  	v11 =	vld [tilespmem:s6+$0x5800];
	v2 =	vadd.f32 v9, v2  }
0x111: {  	v0 =	vadd.f32 v0, v1;
	v35 =	vld [tilespmem:s8+$0x4600];
	v36 =	vpop (erf)  }
0x112: {  	v34 =	vld [tilespmem:s6+$0x5A00];
	v2 =	vadd.f32 v32, v2;
	v9 =	vadd.f32 $1.000000000e+00, v36  }
0x113: {  	v38 =	vld [tilespmem:s8+$0x4800];
	v0 =	vadd.f32 v7, v0  }
0x114: {  	v37 =	vld [tilespmem:s6+$0x5C00];
	v2 =	vadd.f32 v33, v2;
	(erf) = vrcp.f32 v9  }
0x115: {  	v40 =	vld [tilespmem:s8+$0x4A00];
	v0 =	vadd.f32 v8, v0  }
0x116: {  	v39 =	vld [tilespmem:s6+$0x5E00];
	v1 =	vadd.f32 v35, v2  }
0x117: {  	v42 =	vld [tilespmem:s8+$0x4C00];
	v0 =	vadd.f32 v30, v0  }
0x118: {  	v41 =	vld [tilespmem:s6+$0x6000];
	v1 =	vadd.f32 v38, v1  }
0x119: {  	v44 =	vld [tilespmem:s8+$0x4E00];
	v0 =	vadd.f32 v31, v0  }
0x11a: {  	v43 =	vld [tilespmem:s6+$0x6200];
	v1 =	vadd.f32 v40, v1  }
0x11b: {  	v46 =	vld [tilespmem:s8+$0x5000];
	v0 =	vadd.f32 v11, v0  }
0x11c: {  	v45 =	vld [tilespmem:s6+$0x6400];
	v1 =	vadd.f32 v42, v1  }
0x11d: {  	v48 =	vld [tilespmem:s8+$0x5200];
	v0 =	vadd.f32 v34, v0;
	v49 =	vpop (erf)  }
0x11e: {  	v47 =	vld [tilespmem:s6+$0x6600];
	v1 =	vadd.f32 v44, v1;
	[tilespmem:s5+$0x6800] =	vst v49  }
0x11f: {  	v0 =	vadd.f32 v37, v0;
	v50 =	vld [tilespmem:s8+$0x5400]  }
0x120: {  	v1 =	vadd.f32 v46, v1  }
0x121: {  	v0 =	vadd.f32 v39, v0;
	v51 =	vld [tilespmem:s8+$0x5600]  }
0x122: {  	v1 =	vadd.f32 v48, v1  }
0x123: {  	v0 =	vadd.f32 v41, v0;
	v52 =	vld [tilespmem:s8+$0x5800]  }
0x124: {  	v1 =	vadd.f32 v50, v1  }
0x125: {  	v0 =	vadd.f32 v43, v0;
	v53 =	vld [tilespmem:s8+$0x5A00]  }
0x126: {  	v1 =	vadd.f32 v51, v1  }
0x127: {  	v0 =	vadd.f32 v45, v0;
	v54 =	vld [tilespmem:s8+$0x5C00]  }
0x128: {  	v1 =	vadd.f32 v52, v1  }
0x129: {  	v0 =	vadd.f32 v47, v0;
	v55 =	vld [tilespmem:s8+$0x5E00]  }
0x12a: {  	v1 =	vadd.f32 v53, v1  }
0x12b: {  	v0 =	vsub.f32 $0.0e+00, v0;
	v56 =	vld [tilespmem:s8+$0x6000]  }
0x12c: {  	v1 =	vadd.f32 v54, v1  }
0x12d: {  	v57 =	vld [tilespmem:s8+$0x6200];
	v0 =	vmul.f32 $1.442695020e+00, v0  }
0x12e: {  	v1 =	vadd.f32 v55, v1  }
0x12f: {  	v58 =	vld [tilespmem:s8+$0x6400];
	(erf) = vpow2.f32 v0  }
0x130: {  	v1 =	vadd.f32 v56, v1  }
0x131: {  	v59 =	vld [tilespmem:s8+$0x6600]  }
0x132: {  	v1 =	vadd.f32 v57, v1;
	_ =	sdelay $0x1  }
0x133: {  	v0 =	vadd.f32 v58, v1;
	_ =	sdelay $0x1  }
0x134: {  	v0 =	vadd.f32 v59, v0;
	_ =	sdelay $0x1  }
0x135: {  	v60 =	vpop (erf);
	v0 =	vsub.f32 $0.0e+00, v0  }
0x136: {  	v1 =	vadd.f32 $1.000000000e+00, v60  }
0x137: {  	v0 =	vmul.f32 $1.442695020e+00, v0  }
0x138: {  	(erf) = vrcp.f32 v1  }
0x139: {  	(erf) = vpow2.f32 v0;
	_ =	sdelay $0x7  }
0x13a: {  	v61 =	vpop (erf)  }
0x13b: {  	v62 =	vpop (erf)  }
0x13c: {  	v1 =	vadd.f32 $1.000000000e+00, v62;
	_ =	sdelay $0x1  }
0x13d: {  	(erf) = vrcp.f32 v1;
	_ =	sdelay $0x7  }
0x13e: {  	s4 =	sadd.s32 $0x1, s4  }
0x13f: {  	p0 =	sne.s32 s4, s25;
	[tilespmem:s6+$0x6800] =	vst v61;
	v63 =	vpop (erf)  }
.Ltmp1:
0x140: {  	s9 =	simm.s32 $0x6800;
	[tilespmem:s8+$0x6800] =	vst v63;
	(pc) =	sbr.rel @p0 .LBB2_1-.Ltmp1, $4  }
0x141: {  	[hbm4b:s22+s2] =	stream.linear.scatter [tilespmem:s9], [sflag:$0x2], $0x200, $0x38;
	[tilespmem:$0x6A00] =	vst v63  }
0x142: {  	_ =	swait.ge [sflag:s14], $0x200  }
0x143: {  	[sflag:s14] =	ssyncset.done $0x0  }
0x144: {  	[sflag:s14] =	ssyncadd.s32 $0xFFFFFE00  }
0x145: {  	_ =	sfence.sel $0x180000  }
0x146: {  	[bflag:$0x0] =	sbarrier.arrive $0xFFFF  }
0x147: {  	_ =	strace $0x90000047  }
0x148: {  	s0 =	stileid.u32;
	[bflag:$0x2] =	sbarrier.arrive $0xFFFF  }
0x149: {  	p0 =	sne.s32 s0, $0x0;
	s0 =	rddreg [dreg:$0x2]  }
0x14a: {  	s0 =	sadd.s32 @!p0 $0x100000, s0  }
0x14b: {  	[sflag:s0] =	ssyncadd.tile.s32 @!p0 $0x1;
	_ =	shalt  }
.Lfunc_end2:
_tile_overlayer_lowered:
.L_overlay_start_2:
0x14c: {  	(tag) =	ssettag $0x2  }
0x14d: {  	s0 =	rddreg [dreg:$0x0];
	s2 =	stileid.u32  }
0x14e: {  	s1 =	rddreg [dreg:$0x1];
	p0 =	sne.s32 s2, $0x0  }
0x14f: {  	s3 =	rddreg [dreg:$0x2];
	[bflag:$0x3] =	sbarrier.arrive $0xFFFF;
	s2 =	simm.s32 @!p0 $0x1C02  }
0x150: {  	[timem:s3], [sflag:s2] =	dma.local @!p0 [hbm:s0], s1  }
0x151: {  	s0 =	simm.s32 @!p0 $0x2  }
0x152: {  	_ =	swait.ge @!p0 [sflag:s0], s1  }
0x153: {  	s1 =	ssub.s32 @!p0 $0x0, s1;
	[sflag:s0] =	ssyncset.done @!p0 $0x0  }
0x154: {  	[sflag:s0] =	ssyncadd.s32 @!p0 s1  }
0x155: {  	[bflag:$0x3] =	sbarrier.arrive $0xFFFF  }
0x156: {  	_ =	shalt  }

</sc_bundles>
